<compile_context>
chip_gen: v7x
topology: tpu7x:2x2x1
jax: 0.10.2.dev20260603
libtpu: 0.0.44.dev20260713+nightly
codegen_flags: <defaults>
</compile_context>

<pallas_src>
import functools

import jax
import jax.numpy as jnp
from jax import lax
from jax.experimental import pallas as pl
from jax.experimental.pallas import tpu as pltpu
from jax.experimental.pallas import tpu_sc as plsc

VOCAB = 1000
EMBED = 128
B = 4096
S = 50

NW = 32
BLK = B // NW
NBUF = 5
NGRP = S // NBUF

_mesh = plsc.VectorSubcoreMesh(core_axis_name="c", subcore_axis_name="s")


@functools.partial(
    pl.kernel,
    mesh=_mesh,
    out_type=jax.ShapeDtypeStruct((S, B, EMBED), jnp.float32),
    scratch_types=[
        pltpu.VMEM((S, BLK), jnp.int32),
        pltpu.VMEM((NBUF, BLK, EMBED), jnp.float32),
        pltpu.VMEM_SHARED((VOCAB, EMBED), jnp.float32),
    ] + [pltpu.SemaphoreType.DMA] * (2 * NBUF),
)
def _emb_lookup(table_hbm, idx_hbm, out_hbm, idx_v, rows_v, table_sp, *sems):
    gsems, wsems = sems[:NBUF], sems[NBUF:]
    sid = lax.axis_index("s")
    wid = sid * 2 + lax.axis_index("c")
    base = wid * BLK

    @pl.when(sid == 0)
    def _():
        pltpu.sync_copy(table_hbm, table_sp)

    pltpu.sync_copy(idx_hbm.at[pl.ds(0, S), pl.ds(base, BLK)], idx_v)
    plsc.subcore_barrier()

    def gather(j, b):
        return pltpu.make_async_copy(
            table_sp.at[idx_v.at[j]], rows_v.at[b], gsems[b])

    def writeback(j, b):
        return pltpu.make_async_copy(
            rows_v.at[b], out_hbm.at[j, pl.ds(base, BLK)], wsems[b])

    for b in range(NBUF):
        gather(b, b).start()

    def group(g, carry):
        for b in range(NBUF):
            j = g * NBUF + b
            gather(j, b).wait()
            writeback(j, b).start()

            @pl.when(g != NGRP - 1)
            def _():
                writeback(j, b).wait()
                gather(j + NBUF, b).start()

        return carry

    lax.fori_loop(0, NGRP, group, 0)

    for b in range(NBUF):
        writeback(S - NBUF + b, b).wait()


def kernel(captions, weights):
    out2 = _emb_lookup(weights, captions.T)
    return out2.transpose(1, 0, 2)

# --- scband reference (transcript-rebuilt; emitter-appended) ---
"""Pipeline reference for scband-embedding-39161511804998 (READ-ONLY COPY).

The authoritative reference and input builder live on the scoring server;
editing this copy changes nothing except your own understanding.
"""

import jax, jax.numpy as jnp
import numpy as np

VOCAB = 1000
EMBED = 128
B = 4096
S = 50


def setup_inputs(seed: int = 0) -> dict:
    key = jax.random.key(seed)
    k1, k2 = jax.random.split(key)
    captions = jax.random.randint(k1, (B, S), 0, VOCAB, dtype=jnp.int32)
    # pretrained embedding table (stands in for the word2vec .npy weights)
    weights = jax.random.normal(k2, (VOCAB, EMBED), dtype=jnp.float32)
    return {"captions": captions, "weights": weights}


def reference(captions, weights):
    # nn.Embedding.from_pretrained(weights)(captions) -> (B, S, EMBED)
    vectors = jnp.take(weights, captions, axis=0)
    return vectors

if __name__ == "__main__":
    import jax
    _d = setup_inputs()
    print(jax.jit(kernel)(*tuple(_d.values())))

</pallas_src>

<mosaic_0001>
#map = affine_map<(d0, d1) -> (0, 0)>
#map1 = affine_map<(d0, d1) -> (0, 0, 0)>
module attributes {stable_mosaic.version = 14 : i64} {
  func.func @_emb_lookup(%arg0: i32, %arg1: i32, %arg2: memref<1000x128xf32, #tpu.memory_space<hbm>>, %arg3: memref<50x4096xi32, #tpu.memory_space<hbm>>, %arg4: memref<50x4096x128xf32, #tpu.memory_space<hbm>>, %arg5: memref<50x128xi32, #tpu.memory_space<vmem>>, %arg6: memref<5x128x128xf32, #tpu.memory_space<vmem>>, %arg7: memref<1000x128xf32, #tpu.memory_space<vmem_shared>>, %arg8: memref<!tpu.dma_semaphore, #tpu.memory_space<semaphore_mem>>, %arg9: memref<!tpu.dma_semaphore, #tpu.memory_space<semaphore_mem>>, %arg10: memref<!tpu.dma_semaphore, #tpu.memory_space<semaphore_mem>>, %arg11: memref<!tpu.dma_semaphore, #tpu.memory_space<semaphore_mem>>, %arg12: memref<!tpu.dma_semaphore, #tpu.memory_space<semaphore_mem>>, %arg13: memref<!tpu.dma_semaphore, #tpu.memory_space<semaphore_mem>>, %arg14: memref<!tpu.dma_semaphore, #tpu.memory_space<semaphore_mem>>, %arg15: memref<!tpu.dma_semaphore, #tpu.memory_space<semaphore_mem>>, %arg16: memref<!tpu.dma_semaphore, #tpu.memory_space<semaphore_mem>>, %arg17: memref<!tpu.dma_semaphore, #tpu.memory_space<semaphore_mem>>) attributes {dimension_semantics = [#tpu.dimension_semantics<core_parallel>, #tpu.dimension_semantics<subcore_parallel>], iteration_bounds = array<i64: 2, 16>, scalar_prefetch = 0 : i64, scratch_operands = 13 : i64, tpu.core_type = #tpu.core_type<sc_vector_subcore>, window_params = [{transform_indices = #map}, {transform_indices = #map}, {transform_indices = #map1}]} {
    %mul3A = arith.constant 2 : i32
    %mul3A_0 = arith.muli %arg1, %mul3A : i32
    %add3A = arith.addi %mul3A_0, %arg0 : i32
    %mul3A_1 = arith.constant 128 : i32
    %mul3A_2 = arith.muli %add3A, %mul3A_1 : i32
    %eq3A = arith.constant 0 : i32
    %eq3A_3 = arith.cmpi eq, %arg1, %eq3A : i32
    %convert_element_type3A = arith.extui %eq3A_3 : i1 to i32
    %cond3A = arith.constant 0 : i32
    %cond3A_4 = arith.cmpi ne, %convert_element_type3A, %cond3A : i32
    scf.if %cond3A_4 {
      "tpu.region"() ({
        %run_scoped3A = tpu.sem_alloc : memref<!tpu.dma_semaphore, #tpu.memory_space<semaphore_mem>>
        tpu.enqueue_dma source(%arg2 : memref<1000x128xf32, #tpu.memory_space<hbm>>) target(%arg7 : memref<1000x128xf32, #tpu.memory_space<vmem_shared>>) target_semaphore(%run_scoped3A : memref<!tpu.dma_semaphore, #tpu.memory_space<semaphore_mem>>)
        tpu.wait_dma2 semaphore(%run_scoped3A : memref<!tpu.dma_semaphore, #tpu.memory_space<semaphore_mem>>) src(%arg2 : memref<1000x128xf32, #tpu.memory_space<hbm>>) dst(%arg7 : memref<1000x128xf32, #tpu.memory_space<vmem_shared>>)
        tpu.yield
      }) : () -> ()
    } else {
    }
    "tpu.region"() ({
      %run_scoped3A = tpu.sem_alloc : memref<!tpu.dma_semaphore, #tpu.memory_space<semaphore_mem>>
      %dma_start3A_148 = arith.constant 0 : i32
      %dma_start3A_149 = tpu.memref_slice %arg3[%dma_start3A_148, %mul3A_2] : memref<50x4096xi32, #tpu.memory_space<hbm>> -> memref<50x128xi32, #tpu.memory_space<hbm>>
      %dma_start3A_150 = arith.constant 0 : i32
      %dma_start3A_151 = tpu.memref_slice %arg3[%dma_start3A_150, %mul3A_2] : memref<50x4096xi32, #tpu.memory_space<hbm>> -> memref<50x128xi32, #tpu.memory_space<hbm>>
      tpu.enqueue_dma source(%dma_start3A_151 : memref<50x128xi32, #tpu.memory_space<hbm>>) target(%arg5 : memref<50x128xi32, #tpu.memory_space<vmem>>) target_semaphore(%run_scoped3A : memref<!tpu.dma_semaphore, #tpu.memory_space<semaphore_mem>>)
      %dma_wait3A_152 = arith.constant 0 : i32
      %dma_wait3A_153 = tpu.memref_slice %arg3[%dma_wait3A_152, %mul3A_2] : memref<50x4096xi32, #tpu.memory_space<hbm>> -> memref<50x128xi32, #tpu.memory_space<hbm>>
      %dma_wait3A_154 = arith.constant 0 : i32
      %dma_wait3A_155 = tpu.memref_slice %arg3[%dma_wait3A_154, %mul3A_2] : memref<50x4096xi32, #tpu.memory_space<hbm>> -> memref<50x128xi32, #tpu.memory_space<hbm>>
      tpu.wait_dma2 semaphore(%run_scoped3A : memref<!tpu.dma_semaphore, #tpu.memory_space<semaphore_mem>>) src(%dma_wait3A_155 : memref<50x128xi32, #tpu.memory_space<hbm>>) dst(%arg5 : memref<50x128xi32, #tpu.memory_space<vmem>>)
      tpu.yield
    }) : () -> ()
    %barrier3A = arith.constant 0 : index
    tpu.barrier barrier_id(%barrier3A)
    %dma_start3A = arith.constant 0 : i32
    %dma_start3A_5 = arith.constant 0 : i32
    %dma_start3A_6 = arith.constant 0 : i32
    %dma_start3A_7 = arith.constant 0 : i32
    %dma_start3A_8 = tpu.memref_slice %arg6[%dma_start3A_5, %dma_start3A_6, %dma_start3A_7] : memref<5x128x128xf32, #tpu.memory_space<vmem>> -> memref<1x128x128xf32, #tpu.memory_space<vmem>>
    %dma_start3A_9 = tpu.memref_squeeze %dma_start3A_8 : memref<1x128x128xf32, #tpu.memory_space<vmem>> -> memref<128x128xf32, #tpu.memory_space<vmem>>
    %dma_start3A_10 = arith.constant 0 : i32
    %dma_start3A_11 = tpu.memref_slice %arg5[%dma_start3A, %dma_start3A_10] : memref<50x128xi32, #tpu.memory_space<vmem>> -> memref<1x128xi32, #tpu.memory_space<vmem>>
    %dma_start3A_12 = tpu.memref_squeeze %dma_start3A_11 : memref<1x128xi32, #tpu.memory_space<vmem>> -> memref<128xi32, #tpu.memory_space<vmem>>
    %dma_start3A_13 = arith.constant 0 : i32
    %dma_start3A_14 = arith.constant 0 : i32
    %dma_start3A_15 = tpu.memref_slice %arg7[%dma_start3A_13, %dma_start3A_14] : memref<1000x128xf32, #tpu.memory_space<vmem_shared>> -> memref<1000x128xf32, #tpu.memory_space<vmem_shared>>
    tpu.enqueue_indirect_dma source(%dma_start3A_15 : memref<1000x128xf32, #tpu.memory_space<vmem_shared>>) target(%dma_start3A_9 : memref<128x128xf32, #tpu.memory_space<vmem>>) offsets(%dma_start3A_12 : memref<128xi32, #tpu.memory_space<vmem>>) semaphore(%arg8 : memref<!tpu.dma_semaphore, #tpu.memory_space<semaphore_mem>>)
    %dma_start3A_16 = arith.constant 1 : i32
    %dma_start3A_17 = arith.constant 1 : i32
    %dma_start3A_18 = arith.constant 0 : i32
    %dma_start3A_19 = arith.constant 0 : i32
    %dma_start3A_20 = tpu.memref_slice %arg6[%dma_start3A_17, %dma_start3A_18, %dma_start3A_19] : memref<5x128x128xf32, #tpu.memory_space<vmem>> -> memref<1x128x128xf32, #tpu.memory_space<vmem>>
    %dma_start3A_21 = tpu.memref_squeeze %dma_start3A_20 : memref<1x128x128xf32, #tpu.memory_space<vmem>> -> memref<128x128xf32, #tpu.memory_space<vmem>>
    %dma_start3A_22 = arith.constant 0 : i32
    %dma_start3A_23 = tpu.memref_slice %arg5[%dma_start3A_16, %dma_start3A_22] : memref<50x128xi32, #tpu.memory_space<vmem>> -> memref<1x128xi32, #tpu.memory_space<vmem>>
    %dma_start3A_24 = tpu.memref_squeeze %dma_start3A_23 : memref<1x128xi32, #tpu.memory_space<vmem>> -> memref<128xi32, #tpu.memory_space<vmem>>
    %dma_start3A_25 = arith.constant 0 : i32
    %dma_start3A_26 = arith.constant 0 : i32
    %dma_start3A_27 = tpu.memref_slice %arg7[%dma_start3A_25, %dma_start3A_26] : memref<1000x128xf32, #tpu.memory_space<vmem_shared>> -> memref<1000x128xf32, #tpu.memory_space<vmem_shared>>
    tpu.enqueue_indirect_dma source(%dma_start3A_27 : memref<1000x128xf32, #tpu.memory_space<vmem_shared>>) target(%dma_start3A_21 : memref<128x128xf32, #tpu.memory_space<vmem>>) offsets(%dma_start3A_24 : memref<128xi32, #tpu.memory_space<vmem>>) semaphore(%arg9 : memref<!tpu.dma_semaphore, #tpu.memory_space<semaphore_mem>>)
    %dma_start3A_28 = arith.constant 2 : i32
    %dma_start3A_29 = arith.constant 2 : i32
    %dma_start3A_30 = arith.constant 0 : i32
    %dma_start3A_31 = arith.constant 0 : i32
    %dma_start3A_32 = tpu.memref_slice %arg6[%dma_start3A_29, %dma_start3A_30, %dma_start3A_31] : memref<5x128x128xf32, #tpu.memory_space<vmem>> -> memref<1x128x128xf32, #tpu.memory_space<vmem>>
    %dma_start3A_33 = tpu.memref_squeeze %dma_start3A_32 : memref<1x128x128xf32, #tpu.memory_space<vmem>> -> memref<128x128xf32, #tpu.memory_space<vmem>>
    %dma_start3A_34 = arith.constant 0 : i32
    %dma_start3A_35 = tpu.memref_slice %arg5[%dma_start3A_28, %dma_start3A_34] : memref<50x128xi32, #tpu.memory_space<vmem>> -> memref<1x128xi32, #tpu.memory_space<vmem>>
    %dma_start3A_36 = tpu.memref_squeeze %dma_start3A_35 : memref<1x128xi32, #tpu.memory_space<vmem>> -> memref<128xi32, #tpu.memory_space<vmem>>
    %dma_start3A_37 = arith.constant 0 : i32
    %dma_start3A_38 = arith.constant 0 : i32
    %dma_start3A_39 = tpu.memref_slice %arg7[%dma_start3A_37, %dma_start3A_38] : memref<1000x128xf32, #tpu.memory_space<vmem_shared>> -> memref<1000x128xf32, #tpu.memory_space<vmem_shared>>
    tpu.enqueue_indirect_dma source(%dma_start3A_39 : memref<1000x128xf32, #tpu.memory_space<vmem_shared>>) target(%dma_start3A_33 : memref<128x128xf32, #tpu.memory_space<vmem>>) offsets(%dma_start3A_36 : memref<128xi32, #tpu.memory_space<vmem>>) semaphore(%arg10 : memref<!tpu.dma_semaphore, #tpu.memory_space<semaphore_mem>>)
    %dma_start3A_40 = arith.constant 3 : i32
    %dma_start3A_41 = arith.constant 3 : i32
    %dma_start3A_42 = arith.constant 0 : i32
    %dma_start3A_43 = arith.constant 0 : i32
    %dma_start3A_44 = tpu.memref_slice %arg6[%dma_start3A_41, %dma_start3A_42, %dma_start3A_43] : memref<5x128x128xf32, #tpu.memory_space<vmem>> -> memref<1x128x128xf32, #tpu.memory_space<vmem>>
    %dma_start3A_45 = tpu.memref_squeeze %dma_start3A_44 : memref<1x128x128xf32, #tpu.memory_space<vmem>> -> memref<128x128xf32, #tpu.memory_space<vmem>>
    %dma_start3A_46 = arith.constant 0 : i32
    %dma_start3A_47 = tpu.memref_slice %arg5[%dma_start3A_40, %dma_start3A_46] : memref<50x128xi32, #tpu.memory_space<vmem>> -> memref<1x128xi32, #tpu.memory_space<vmem>>
    %dma_start3A_48 = tpu.memref_squeeze %dma_start3A_47 : memref<1x128xi32, #tpu.memory_space<vmem>> -> memref<128xi32, #tpu.memory_space<vmem>>
    %dma_start3A_49 = arith.constant 0 : i32
    %dma_start3A_50 = arith.constant 0 : i32
    %dma_start3A_51 = tpu.memref_slice %arg7[%dma_start3A_49, %dma_start3A_50] : memref<1000x128xf32, #tpu.memory_space<vmem_shared>> -> memref<1000x128xf32, #tpu.memory_space<vmem_shared>>
    tpu.enqueue_indirect_dma source(%dma_start3A_51 : memref<1000x128xf32, #tpu.memory_space<vmem_shared>>) target(%dma_start3A_45 : memref<128x128xf32, #tpu.memory_space<vmem>>) offsets(%dma_start3A_48 : memref<128xi32, #tpu.memory_space<vmem>>) semaphore(%arg11 : memref<!tpu.dma_semaphore, #tpu.memory_space<semaphore_mem>>)
    %dma_start3A_52 = arith.constant 4 : i32
    %dma_start3A_53 = arith.constant 4 : i32
    %dma_start3A_54 = arith.constant 0 : i32
    %dma_start3A_55 = arith.constant 0 : i32
    %dma_start3A_56 = tpu.memref_slice %arg6[%dma_start3A_53, %dma_start3A_54, %dma_start3A_55] : memref<5x128x128xf32, #tpu.memory_space<vmem>> -> memref<1x128x128xf32, #tpu.memory_space<vmem>>
    %dma_start3A_57 = tpu.memref_squeeze %dma_start3A_56 : memref<1x128x128xf32, #tpu.memory_space<vmem>> -> memref<128x128xf32, #tpu.memory_space<vmem>>
    %dma_start3A_58 = arith.constant 0 : i32
    %dma_start3A_59 = tpu.memref_slice %arg5[%dma_start3A_52, %dma_start3A_58] : memref<50x128xi32, #tpu.memory_space<vmem>> -> memref<1x128xi32, #tpu.memory_space<vmem>>
    %dma_start3A_60 = tpu.memref_squeeze %dma_start3A_59 : memref<1x128xi32, #tpu.memory_space<vmem>> -> memref<128xi32, #tpu.memory_space<vmem>>
    %dma_start3A_61 = arith.constant 0 : i32
    %dma_start3A_62 = arith.constant 0 : i32
    %dma_start3A_63 = tpu.memref_slice %arg7[%dma_start3A_61, %dma_start3A_62] : memref<1000x128xf32, #tpu.memory_space<vmem_shared>> -> memref<1000x128xf32, #tpu.memory_space<vmem_shared>>
    tpu.enqueue_indirect_dma source(%dma_start3A_63 : memref<1000x128xf32, #tpu.memory_space<vmem_shared>>) target(%dma_start3A_57 : memref<128x128xf32, #tpu.memory_space<vmem>>) offsets(%dma_start3A_60 : memref<128xi32, #tpu.memory_space<vmem>>) semaphore(%arg12 : memref<!tpu.dma_semaphore, #tpu.memory_space<semaphore_mem>>)
    %scan3A = arith.constant 0 : i32
    %scan3A_64 = arith.constant 0 : i32
    %scan3A_65 = arith.constant 10 : i32
    %scan3A_66 = arith.addi %scan3A_64, %scan3A_65 : i32
    %scan3A_67 = arith.constant 1 : i32
    scf.for %scan3A_148 = %scan3A_64 to %scan3A_66 step %scan3A_67  : i32 {
      %mul3A_149 = arith.constant 5 : i32
      %mul3A_150 = arith.muli %scan3A_148, %mul3A_149 : i32
      %add3A_151 = arith.constant 0 : i32
      %add3A_152 = arith.addi %mul3A_150, %add3A_151 : i32
      %dma_wait3A_153 = arith.constant 0 : i32
      %dma_wait3A_154 = arith.constant 0 : i32
      %dma_wait3A_155 = arith.constant 0 : i32
      %dma_wait3A_156 = tpu.memref_slice %arg6[%dma_wait3A_153, %dma_wait3A_154, %dma_wait3A_155] : memref<5x128x128xf32, #tpu.memory_space<vmem>> -> memref<1x128x128xf32, #tpu.memory_space<vmem>>
      %dma_wait3A_157 = tpu.memref_squeeze %dma_wait3A_156 : memref<1x128x128xf32, #tpu.memory_space<vmem>> -> memref<128x128xf32, #tpu.memory_space<vmem>>
      %dma_wait3A_158 = arith.constant 0 : i32
      %dma_wait3A_159 = tpu.memref_slice %arg5[%add3A_152, %dma_wait3A_158] : memref<50x128xi32, #tpu.memory_space<vmem>> -> memref<1x128xi32, #tpu.memory_space<vmem>>
      %dma_wait3A_160 = tpu.memref_squeeze %dma_wait3A_159 : memref<1x128xi32, #tpu.memory_space<vmem>> -> memref<128xi32, #tpu.memory_space<vmem>>
      %dma_wait3A_161 = arith.constant 0 : i32
      %dma_wait3A_162 = arith.constant 0 : i32
      %dma_wait3A_163 = tpu.memref_slice %arg7[%dma_wait3A_161, %dma_wait3A_162] : memref<1000x128xf32, #tpu.memory_space<vmem_shared>> -> memref<1000x128xf32, #tpu.memory_space<vmem_shared>>
      tpu.wait_indirect_dma semaphore(%arg8 : memref<!tpu.dma_semaphore, #tpu.memory_space<semaphore_mem>>) src(%dma_wait3A_163 : memref<1000x128xf32, #tpu.memory_space<vmem_shared>>) dst(%dma_wait3A_157 : memref<128x128xf32, #tpu.memory_space<vmem>>)
      %dma_start3A_164 = arith.constant 0 : i32
      %dma_start3A_165 = arith.constant 0 : i32
      %dma_start3A_166 = arith.constant 0 : i32
      %dma_start3A_167 = tpu.memref_slice %arg6[%dma_start3A_164, %dma_start3A_165, %dma_start3A_166] : memref<5x128x128xf32, #tpu.memory_space<vmem>> -> memref<1x128x128xf32, #tpu.memory_space<vmem>>
      %dma_start3A_168 = tpu.memref_squeeze %dma_start3A_167 : memref<1x128x128xf32, #tpu.memory_space<vmem>> -> memref<128x128xf32, #tpu.memory_space<vmem>>
      %dma_start3A_169 = arith.constant 0 : i32
      %dma_start3A_170 = tpu.memref_slice %arg4[%add3A_152, %mul3A_2, %dma_start3A_169] : memref<50x4096x128xf32, #tpu.memory_space<hbm>> -> memref<1x128x128xf32, #tpu.memory_space<hbm>>
      %dma_start3A_171 = tpu.memref_squeeze %dma_start3A_170 : memref<1x128x128xf32, #tpu.memory_space<hbm>> -> memref<128x128xf32, #tpu.memory_space<hbm>>
      %dma_start3A_172 = arith.constant 0 : i32
      %dma_start3A_173 = tpu.memref_slice %arg4[%add3A_152, %mul3A_2, %dma_start3A_172] : memref<50x4096x128xf32, #tpu.memory_space<hbm>> -> memref<1x128x128xf32, #tpu.memory_space<hbm>>
      %dma_start3A_174 = tpu.memref_squeeze %dma_start3A_173 : memref<1x128x128xf32, #tpu.memory_space<hbm>> -> memref<128x128xf32, #tpu.memory_space<hbm>>
      %dma_start3A_175 = arith.constant 0 : i32
      %dma_start3A_176 = arith.constant 0 : i32
      %dma_start3A_177 = tpu.memref_slice %arg6[%dma_start3A_164, %dma_start3A_175, %dma_start3A_176] : memref<5x128x128xf32, #tpu.memory_space<vmem>> -> memref<1x128x128xf32, #tpu.memory_space<vmem>>
      %dma_start3A_178 = tpu.memref_squeeze %dma_start3A_177 : memref<1x128x128xf32, #tpu.memory_space<vmem>> -> memref<128x128xf32, #tpu.memory_space<vmem>>
      tpu.enqueue_dma source(%dma_start3A_178 : memref<128x128xf32, #tpu.memory_space<vmem>>) target(%dma_start3A_174 : memref<128x128xf32, #tpu.memory_space<hbm>>) target_semaphore(%arg13 : memref<!tpu.dma_semaphore, #tpu.memory_space<semaphore_mem>>)
      %ne3A = arith.constant 9 : i32
      %ne3A_179 = arith.cmpi ne, %scan3A_148, %ne3A : i32
      %convert_element_type3A_180 = arith.extui %ne3A_179 : i1 to i32
      %cond3A_181 = arith.constant 0 : i32
      %cond3A_182 = arith.cmpi ne, %convert_element_type3A_180, %cond3A_181 : i32
      scf.if %cond3A_182 {
        %dma_wait3A_323 = arith.constant 0 : i32
        %dma_wait3A_324 = arith.constant 0 : i32
        %dma_wait3A_325 = arith.constant 0 : i32
        %dma_wait3A_326 = tpu.memref_slice %arg6[%dma_wait3A_323, %dma_wait3A_324, %dma_wait3A_325] : memref<5x128x128xf32, #tpu.memory_space<vmem>> -> memref<1x128x128xf32, #tpu.memory_space<vmem>>
        %dma_wait3A_327 = tpu.memref_squeeze %dma_wait3A_326 : memref<1x128x128xf32, #tpu.memory_space<vmem>> -> memref<128x128xf32, #tpu.memory_space<vmem>>
        %dma_wait3A_328 = arith.constant 0 : i32
        %dma_wait3A_329 = tpu.memref_slice %arg4[%add3A_152, %mul3A_2, %dma_wait3A_328] : memref<50x4096x128xf32, #tpu.memory_space<hbm>> -> memref<1x128x128xf32, #tpu.memory_space<hbm>>
        %dma_wait3A_330 = tpu.memref_squeeze %dma_wait3A_329 : memref<1x128x128xf32, #tpu.memory_space<hbm>> -> memref<128x128xf32, #tpu.memory_space<hbm>>
        %dma_wait3A_331 = arith.constant 0 : i32
        %dma_wait3A_332 = tpu.memref_slice %arg4[%add3A_152, %mul3A_2, %dma_wait3A_331] : memref<50x4096x128xf32, #tpu.memory_space<hbm>> -> memref<1x128x128xf32, #tpu.memory_space<hbm>>
        %dma_wait3A_333 = tpu.memref_squeeze %dma_wait3A_332 : memref<1x128x128xf32, #tpu.memory_space<hbm>> -> memref<128x128xf32, #tpu.memory_space<hbm>>
        %dma_wait3A_334 = arith.constant 0 : i32
        %dma_wait3A_335 = arith.constant 0 : i32
        %dma_wait3A_336 = tpu.memref_slice %arg6[%dma_wait3A_323, %dma_wait3A_334, %dma_wait3A_335] : memref<5x128x128xf32, #tpu.memory_space<vmem>> -> memref<1x128x128xf32, #tpu.memory_space<vmem>>
        %dma_wait3A_337 = tpu.memref_squeeze %dma_wait3A_336 : memref<1x128x128xf32, #tpu.memory_space<vmem>> -> memref<128x128xf32, #tpu.memory_space<vmem>>
        tpu.wait_dma2 semaphore(%arg13 : memref<!tpu.dma_semaphore, #tpu.memory_space<semaphore_mem>>) src(%dma_wait3A_337 : memref<128x128xf32, #tpu.memory_space<vmem>>) dst(%dma_wait3A_333 : memref<128x128xf32, #tpu.memory_space<hbm>>)
        %add3A_338 = arith.constant 5 : i32
        %add3A_339 = arith.addi %add3A_152, %add3A_338 : i32
        %dma_start3A_340 = arith.constant 0 : i32
        %dma_start3A_341 = arith.constant 0 : i32
        %dma_start3A_342 = arith.constant 0 : i32
        %dma_start3A_343 = tpu.memref_slice %arg6[%dma_start3A_340, %dma_start3A_341, %dma_start3A_342] : memref<5x128x128xf32, #tpu.memory_space<vmem>> -> memref<1x128x128xf32, #tpu.memory_space<vmem>>
        %dma_start3A_344 = tpu.memref_squeeze %dma_start3A_343 : memref<1x128x128xf32, #tpu.memory_space<vmem>> -> memref<128x128xf32, #tpu.memory_space<vmem>>
        %dma_start3A_345 = arith.constant 0 : i32
        %dma_start3A_346 = tpu.memref_slice %arg5[%add3A_339, %dma_start3A_345] : memref<50x128xi32, #tpu.memory_space<vmem>> -> memref<1x128xi32, #tpu.memory_space<vmem>>
        %dma_start3A_347 = tpu.memref_squeeze %dma_start3A_346 : memref<1x128xi32, #tpu.memory_space<vmem>> -> memref<128xi32, #tpu.memory_space<vmem>>
        %dma_start3A_348 = arith.constant 0 : i32
        %dma_start3A_349 = arith.constant 0 : i32
        %dma_start3A_350 = tpu.memref_slice %arg7[%dma_start3A_348, %dma_start3A_349] : memref<1000x128xf32, #tpu.memory_space<vmem_shared>> -> memref<1000x128xf32, #tpu.memory_space<vmem_shared>>
        tpu.enqueue_indirect_dma source(%dma_start3A_350 : memref<1000x128xf32, #tpu.memory_space<vmem_shared>>) target(%dma_start3A_344 : memref<128x128xf32, #tpu.memory_space<vmem>>) offsets(%dma_start3A_347 : memref<128xi32, #tpu.memory_space<vmem>>) semaphore(%arg8 : memref<!tpu.dma_semaphore, #tpu.memory_space<semaphore_mem>>)
      } else {
      }
      %mul3A_183 = arith.constant 5 : i32
      %mul3A_184 = arith.muli %scan3A_148, %mul3A_183 : i32
      %add3A_185 = arith.constant 1 : i32
      %add3A_186 = arith.addi %mul3A_184, %add3A_185 : i32
      %dma_wait3A_187 = arith.constant 1 : i32
      %dma_wait3A_188 = arith.constant 0 : i32
      %dma_wait3A_189 = arith.constant 0 : i32
      %dma_wait3A_190 = tpu.memref_slice %arg6[%dma_wait3A_187, %dma_wait3A_188, %dma_wait3A_189] : memref<5x128x128xf32, #tpu.memory_space<vmem>> -> memref<1x128x128xf32, #tpu.memory_space<vmem>>
      %dma_wait3A_191 = tpu.memref_squeeze %dma_wait3A_190 : memref<1x128x128xf32, #tpu.memory_space<vmem>> -> memref<128x128xf32, #tpu.memory_space<vmem>>
      %dma_wait3A_192 = arith.constant 0 : i32
      %dma_wait3A_193 = tpu.memref_slice %arg5[%add3A_186, %dma_wait3A_192] : memref<50x128xi32, #tpu.memory_space<vmem>> -> memref<1x128xi32, #tpu.memory_space<vmem>>
      %dma_wait3A_194 = tpu.memref_squeeze %dma_wait3A_193 : memref<1x128xi32, #tpu.memory_space<vmem>> -> memref<128xi32, #tpu.memory_space<vmem>>
      %dma_wait3A_195 = arith.constant 0 : i32
      %dma_wait3A_196 = arith.constant 0 : i32
      %dma_wait3A_197 = tpu.memref_slice %arg7[%dma_wait3A_195, %dma_wait3A_196] : memref<1000x128xf32, #tpu.memory_space<vmem_shared>> -> memref<1000x128xf32, #tpu.memory_space<vmem_shared>>
      tpu.wait_indirect_dma semaphore(%arg9 : memref<!tpu.dma_semaphore, #tpu.memory_space<semaphore_mem>>) src(%dma_wait3A_197 : memref<1000x128xf32, #tpu.memory_space<vmem_shared>>) dst(%dma_wait3A_191 : memref<128x128xf32, #tpu.memory_space<vmem>>)
      %dma_start3A_198 = arith.constant 1 : i32
      %dma_start3A_199 = arith.constant 0 : i32
      %dma_start3A_200 = arith.constant 0 : i32
      %dma_start3A_201 = tpu.memref_slice %arg6[%dma_start3A_198, %dma_start3A_199, %dma_start3A_200] : memref<5x128x128xf32, #tpu.memory_space<vmem>> -> memref<1x128x128xf32, #tpu.memory_space<vmem>>
      %dma_start3A_202 = tpu.memref_squeeze %dma_start3A_201 : memref<1x128x128xf32, #tpu.memory_space<vmem>> -> memref<128x128xf32, #tpu.memory_space<vmem>>
      %dma_start3A_203 = arith.constant 0 : i32
      %dma_start3A_204 = tpu.memref_slice %arg4[%add3A_186, %mul3A_2, %dma_start3A_203] : memref<50x4096x128xf32, #tpu.memory_space<hbm>> -> memref<1x128x128xf32, #tpu.memory_space<hbm>>
      %dma_start3A_205 = tpu.memref_squeeze %dma_start3A_204 : memref<1x128x128xf32, #tpu.memory_space<hbm>> -> memref<128x128xf32, #tpu.memory_space<hbm>>
      %dma_start3A_206 = arith.constant 0 : i32
      %dma_start3A_207 = tpu.memref_slice %arg4[%add3A_186, %mul3A_2, %dma_start3A_206] : memref<50x4096x128xf32, #tpu.memory_space<hbm>> -> memref<1x128x128xf32, #tpu.memory_space<hbm>>
      %dma_start3A_208 = tpu.memref_squeeze %dma_start3A_207 : memref<1x128x128xf32, #tpu.memory_space<hbm>> -> memref<128x128xf32, #tpu.memory_space<hbm>>
      %dma_start3A_209 = arith.constant 0 : i32
      %dma_start3A_210 = arith.constant 0 : i32
      %dma_start3A_211 = tpu.memref_slice %arg6[%dma_start3A_198, %dma_start3A_209, %dma_start3A_210] : memref<5x128x128xf32, #tpu.memory_space<vmem>> -> memref<1x128x128xf32, #tpu.memory_space<vmem>>
      %dma_start3A_212 = tpu.memref_squeeze %dma_start3A_211 : memref<1x128x128xf32, #tpu.memory_space<vmem>> -> memref<128x128xf32, #tpu.memory_space<vmem>>
      tpu.enqueue_dma source(%dma_start3A_212 : memref<128x128xf32, #tpu.memory_space<vmem>>) target(%dma_start3A_208 : memref<128x128xf32, #tpu.memory_space<hbm>>) target_semaphore(%arg14 : memref<!tpu.dma_semaphore, #tpu.memory_space<semaphore_mem>>)
      %ne3A_213 = arith.constant 9 : i32
      %ne3A_214 = arith.cmpi ne, %scan3A_148, %ne3A_213 : i32
      %convert_element_type3A_215 = arith.extui %ne3A_214 : i1 to i32
      %cond3A_216 = arith.constant 0 : i32
      %cond3A_217 = arith.cmpi ne, %convert_element_type3A_215, %cond3A_216 : i32
      scf.if %cond3A_217 {
        %dma_wait3A_323 = arith.constant 1 : i32
        %dma_wait3A_324 = arith.constant 0 : i32
        %dma_wait3A_325 = arith.constant 0 : i32
        %dma_wait3A_326 = tpu.memref_slice %arg6[%dma_wait3A_323, %dma_wait3A_324, %dma_wait3A_325] : memref<5x128x128xf32, #tpu.memory_space<vmem>> -> memref<1x128x128xf32, #tpu.memory_space<vmem>>
        %dma_wait3A_327 = tpu.memref_squeeze %dma_wait3A_326 : memref<1x128x128xf32, #tpu.memory_space<vmem>> -> memref<128x128xf32, #tpu.memory_space<vmem>>
        %dma_wait3A_328 = arith.constant 0 : i32
        %dma_wait3A_329 = tpu.memref_slice %arg4[%add3A_186, %mul3A_2, %dma_wait3A_328] : memref<50x4096x128xf32, #tpu.memory_space<hbm>> -> memref<1x128x128xf32, #tpu.memory_space<hbm>>
        %dma_wait3A_330 = tpu.memref_squeeze %dma_wait3A_329 : memref<1x128x128xf32, #tpu.memory_space<hbm>> -> memref<128x128xf32, #tpu.memory_space<hbm>>
        %dma_wait3A_331 = arith.constant 0 : i32
        %dma_wait3A_332 = tpu.memref_slice %arg4[%add3A_186, %mul3A_2, %dma_wait3A_331] : memref<50x4096x128xf32, #tpu.memory_space<hbm>> -> memref<1x128x128xf32, #tpu.memory_space<hbm>>
        %dma_wait3A_333 = tpu.memref_squeeze %dma_wait3A_332 : memref<1x128x128xf32, #tpu.memory_space<hbm>> -> memref<128x128xf32, #tpu.memory_space<hbm>>
        %dma_wait3A_334 = arith.constant 0 : i32
        %dma_wait3A_335 = arith.constant 0 : i32
        %dma_wait3A_336 = tpu.memref_slice %arg6[%dma_wait3A_323, %dma_wait3A_334, %dma_wait3A_335] : memref<5x128x128xf32, #tpu.memory_space<vmem>> -> memref<1x128x128xf32, #tpu.memory_space<vmem>>
        %dma_wait3A_337 = tpu.memref_squeeze %dma_wait3A_336 : memref<1x128x128xf32, #tpu.memory_space<vmem>> -> memref<128x128xf32, #tpu.memory_space<vmem>>
        tpu.wait_dma2 semaphore(%arg14 : memref<!tpu.dma_semaphore, #tpu.memory_space<semaphore_mem>>) src(%dma_wait3A_337 : memref<128x128xf32, #tpu.memory_space<vmem>>) dst(%dma_wait3A_333 : memref<128x128xf32, #tpu.memory_space<hbm>>)
        %add3A_338 = arith.constant 5 : i32
        %add3A_339 = arith.addi %add3A_186, %add3A_338 : i32
        %dma_start3A_340 = arith.constant 1 : i32
        %dma_start3A_341 = arith.constant 0 : i32
        %dma_start3A_342 = arith.constant 0 : i32
        %dma_start3A_343 = tpu.memref_slice %arg6[%dma_start3A_340, %dma_start3A_341, %dma_start3A_342] : memref<5x128x128xf32, #tpu.memory_space<vmem>> -> memref<1x128x128xf32, #tpu.memory_space<vmem>>
        %dma_start3A_344 = tpu.memref_squeeze %dma_start3A_343 : memref<1x128x128xf32, #tpu.memory_space<vmem>> -> memref<128x128xf32, #tpu.memory_space<vmem>>
        %dma_start3A_345 = arith.constant 0 : i32
        %dma_start3A_346 = tpu.memref_slice %arg5[%add3A_339, %dma_start3A_345] : memref<50x128xi32, #tpu.memory_space<vmem>> -> memref<1x128xi32, #tpu.memory_space<vmem>>
        %dma_start3A_347 = tpu.memref_squeeze %dma_start3A_346 : memref<1x128xi32, #tpu.memory_space<vmem>> -> memref<128xi32, #tpu.memory_space<vmem>>
        %dma_start3A_348 = arith.constant 0 : i32
        %dma_start3A_349 = arith.constant 0 : i32
        %dma_start3A_350 = tpu.memref_slice %arg7[%dma_start3A_348, %dma_start3A_349] : memref<1000x128xf32, #tpu.memory_space<vmem_shared>> -> memref<1000x128xf32, #tpu.memory_space<vmem_shared>>
        tpu.enqueue_indirect_dma source(%dma_start3A_350 : memref<1000x128xf32, #tpu.memory_space<vmem_shared>>) target(%dma_start3A_344 : memref<128x128xf32, #tpu.memory_space<vmem>>) offsets(%dma_start3A_347 : memref<128xi32, #tpu.memory_space<vmem>>) semaphore(%arg9 : memref<!tpu.dma_semaphore, #tpu.memory_space<semaphore_mem>>)
      } else {
      }
      %mul3A_218 = arith.constant 5 : i32
      %mul3A_219 = arith.muli %scan3A_148, %mul3A_218 : i32
      %add3A_220 = arith.constant 2 : i32
      %add3A_221 = arith.addi %mul3A_219, %add3A_220 : i32
      %dma_wait3A_222 = arith.constant 2 : i32
      %dma_wait3A_223 = arith.constant 0 : i32
      %dma_wait3A_224 = arith.constant 0 : i32
      %dma_wait3A_225 = tpu.memref_slice %arg6[%dma_wait3A_222, %dma_wait3A_223, %dma_wait3A_224] : memref<5x128x128xf32, #tpu.memory_space<vmem>> -> memref<1x128x128xf32, #tpu.memory_space<vmem>>
      %dma_wait3A_226 = tpu.memref_squeeze %dma_wait3A_225 : memref<1x128x128xf32, #tpu.memory_space<vmem>> -> memref<128x128xf32, #tpu.memory_space<vmem>>
      %dma_wait3A_227 = arith.constant 0 : i32
      %dma_wait3A_228 = tpu.memref_slice %arg5[%add3A_221, %dma_wait3A_227] : memref<50x128xi32, #tpu.memory_space<vmem>> -> memref<1x128xi32, #tpu.memory_space<vmem>>
      %dma_wait3A_229 = tpu.memref_squeeze %dma_wait3A_228 : memref<1x128xi32, #tpu.memory_space<vmem>> -> memref<128xi32, #tpu.memory_space<vmem>>
      %dma_wait3A_230 = arith.constant 0 : i32
      %dma_wait3A_231 = arith.constant 0 : i32
      %dma_wait3A_232 = tpu.memref_slice %arg7[%dma_wait3A_230, %dma_wait3A_231] : memref<1000x128xf32, #tpu.memory_space<vmem_shared>> -> memref<1000x128xf32, #tpu.memory_space<vmem_shared>>
      tpu.wait_indirect_dma semaphore(%arg10 : memref<!tpu.dma_semaphore, #tpu.memory_space<semaphore_mem>>) src(%dma_wait3A_232 : memref<1000x128xf32, #tpu.memory_space<vmem_shared>>) dst(%dma_wait3A_226 : memref<128x128xf32, #tpu.memory_space<vmem>>)
      %dma_start3A_233 = arith.constant 2 : i32
      %dma_start3A_234 = arith.constant 0 : i32
      %dma_start3A_235 = arith.constant 0 : i32
      %dma_start3A_236 = tpu.memref_slice %arg6[%dma_start3A_233, %dma_start3A_234, %dma_start3A_235] : memref<5x128x128xf32, #tpu.memory_space<vmem>> -> memref<1x128x128xf32, #tpu.memory_space<vmem>>
      %dma_start3A_237 = tpu.memref_squeeze %dma_start3A_236 : memref<1x128x128xf32, #tpu.memory_space<vmem>> -> memref<128x128xf32, #tpu.memory_space<vmem>>
      %dma_start3A_238 = arith.constant 0 : i32
      %dma_start3A_239 = tpu.memref_slice %arg4[%add3A_221, %mul3A_2, %dma_start3A_238] : memref<50x4096x128xf32, #tpu.memory_space<hbm>> -> memref<1x128x128xf32, #tpu.memory_space<hbm>>
      %dma_start3A_240 = tpu.memref_squeeze %dma_start3A_239 : memref<1x128x128xf32, #tpu.memory_space<hbm>> -> memref<128x128xf32, #tpu.memory_space<hbm>>
      %dma_start3A_241 = arith.constant 0 : i32
      %dma_start3A_242 = tpu.memref_slice %arg4[%add3A_221, %mul3A_2, %dma_start3A_241] : memref<50x4096x128xf32, #tpu.memory_space<hbm>> -> memref<1x128x128xf32, #tpu.memory_space<hbm>>
      %dma_start3A_243 = tpu.memref_squeeze %dma_start3A_242 : memref<1x128x128xf32, #tpu.memory_space<hbm>> -> memref<128x128xf32, #tpu.memory_space<hbm>>
      %dma_start3A_244 = arith.constant 0 : i32
      %dma_start3A_245 = arith.constant 0 : i32
      %dma_start3A_246 = tpu.memref_slice %arg6[%dma_start3A_233, %dma_start3A_244, %dma_start3A_245] : memref<5x128x128xf32, #tpu.memory_space<vmem>> -> memref<1x128x128xf32, #tpu.memory_space<vmem>>
      %dma_start3A_247 = tpu.memref_squeeze %dma_start3A_246 : memref<1x128x128xf32, #tpu.memory_space<vmem>> -> memref<128x128xf32, #tpu.memory_space<vmem>>
      tpu.enqueue_dma source(%dma_start3A_247 : memref<128x128xf32, #tpu.memory_space<vmem>>) target(%dma_start3A_243 : memref<128x128xf32, #tpu.memory_space<hbm>>) target_semaphore(%arg15 : memref<!tpu.dma_semaphore, #tpu.memory_space<semaphore_mem>>)
      %ne3A_248 = arith.constant 9 : i32
      %ne3A_249 = arith.cmpi ne, %scan3A_148, %ne3A_248 : i32
      %convert_element_type3A_250 = arith.extui %ne3A_249 : i1 to i32
      %cond3A_251 = arith.constant 0 : i32
      %cond3A_252 = arith.cmpi ne, %convert_element_type3A_250, %cond3A_251 : i32
      scf.if %cond3A_252 {
        %dma_wait3A_323 = arith.constant 2 : i32
        %dma_wait3A_324 = arith.constant 0 : i32
        %dma_wait3A_325 = arith.constant 0 : i32
        %dma_wait3A_326 = tpu.memref_slice %arg6[%dma_wait3A_323, %dma_wait3A_324, %dma_wait3A_325] : memref<5x128x128xf32, #tpu.memory_space<vmem>> -> memref<1x128x128xf32, #tpu.memory_space<vmem>>
        %dma_wait3A_327 = tpu.memref_squeeze %dma_wait3A_326 : memref<1x128x128xf32, #tpu.memory_space<vmem>> -> memref<128x128xf32, #tpu.memory_space<vmem>>
        %dma_wait3A_328 = arith.constant 0 : i32
        %dma_wait3A_329 = tpu.memref_slice %arg4[%add3A_221, %mul3A_2, %dma_wait3A_328] : memref<50x4096x128xf32, #tpu.memory_space<hbm>> -> memref<1x128x128xf32, #tpu.memory_space<hbm>>
        %dma_wait3A_330 = tpu.memref_squeeze %dma_wait3A_329 : memref<1x128x128xf32, #tpu.memory_space<hbm>> -> memref<128x128xf32, #tpu.memory_space<hbm>>
        %dma_wait3A_331 = arith.constant 0 : i32
        %dma_wait3A_332 = tpu.memref_slice %arg4[%add3A_221, %mul3A_2, %dma_wait3A_331] : memref<50x4096x128xf32, #tpu.memory_space<hbm>> -> memref<1x128x128xf32, #tpu.memory_space<hbm>>
        %dma_wait3A_333 = tpu.memref_squeeze %dma_wait3A_332 : memref<1x128x128xf32, #tpu.memory_space<hbm>> -> memref<128x128xf32, #tpu.memory_space<hbm>>
        %dma_wait3A_334 = arith.constant 0 : i32
        %dma_wait3A_335 = arith.constant 0 : i32
        %dma_wait3A_336 = tpu.memref_slice %arg6[%dma_wait3A_323, %dma_wait3A_334, %dma_wait3A_335] : memref<5x128x128xf32, #tpu.memory_space<vmem>> -> memref<1x128x128xf32, #tpu.memory_space<vmem>>
        %dma_wait3A_337 = tpu.memref_squeeze %dma_wait3A_336 : memref<1x128x128xf32, #tpu.memory_space<vmem>> -> memref<128x128xf32, #tpu.memory_space<vmem>>
        tpu.wait_dma2 semaphore(%arg15 : memref<!tpu.dma_semaphore, #tpu.memory_space<semaphore_mem>>) src(%dma_wait3A_337 : memref<128x128xf32, #tpu.memory_space<vmem>>) dst(%dma_wait3A_333 : memref<128x128xf32, #tpu.memory_space<hbm>>)
        %add3A_338 = arith.constant 5 : i32
        %add3A_339 = arith.addi %add3A_221, %add3A_338 : i32
        %dma_start3A_340 = arith.constant 2 : i32
        %dma_start3A_341 = arith.constant 0 : i32
        %dma_start3A_342 = arith.constant 0 : i32
        %dma_start3A_343 = tpu.memref_slice %arg6[%dma_start3A_340, %dma_start3A_341, %dma_start3A_342] : memref<5x128x128xf32, #tpu.memory_space<vmem>> -> memref<1x128x128xf32, #tpu.memory_space<vmem>>
        %dma_start3A_344 = tpu.memref_squeeze %dma_start3A_343 : memref<1x128x128xf32, #tpu.memory_space<vmem>> -> memref<128x128xf32, #tpu.memory_space<vmem>>
        %dma_start3A_345 = arith.constant 0 : i32
        %dma_start3A_346 = tpu.memref_slice %arg5[%add3A_339, %dma_start3A_345] : memref<50x128xi32, #tpu.memory_space<vmem>> -> memref<1x128xi32, #tpu.memory_space<vmem>>
        %dma_start3A_347 = tpu.memref_squeeze %dma_start3A_346 : memref<1x128xi32, #tpu.memory_space<vmem>> -> memref<128xi32, #tpu.memory_space<vmem>>
        %dma_start3A_348 = arith.constant 0 : i32
        %dma_start3A_349 = arith.constant 0 : i32
        %dma_start3A_350 = tpu.memref_slice %arg7[%dma_start3A_348, %dma_start3A_349] : memref<1000x128xf32, #tpu.memory_space<vmem_shared>> -> memref<1000x128xf32, #tpu.memory_space<vmem_shared>>
        tpu.enqueue_indirect_dma source(%dma_start3A_350 : memref<1000x128xf32, #tpu.memory_space<vmem_shared>>) target(%dma_start3A_344 : memref<128x128xf32, #tpu.memory_space<vmem>>) offsets(%dma_start3A_347 : memref<128xi32, #tpu.memory_space<vmem>>) semaphore(%arg10 : memref<!tpu.dma_semaphore, #tpu.memory_space<semaphore_mem>>)
      } else {
      }
      %mul3A_253 = arith.constant 5 : i32
      %mul3A_254 = arith.muli %scan3A_148, %mul3A_253 : i32
      %add3A_255 = arith.constant 3 : i32
      %add3A_256 = arith.addi %mul3A_254, %add3A_255 : i32
      %dma_wait3A_257 = arith.constant 3 : i32
      %dma_wait3A_258 = arith.constant 0 : i32
      %dma_wait3A_259 = arith.constant 0 : i32
      %dma_wait3A_260 = tpu.memref_slice %arg6[%dma_wait3A_257, %dma_wait3A_258, %dma_wait3A_259] : memref<5x128x128xf32, #tpu.memory_space<vmem>> -> memref<1x128x128xf32, #tpu.memory_space<vmem>>
      %dma_wait3A_261 = tpu.memref_squeeze %dma_wait3A_260 : memref<1x128x128xf32, #tpu.memory_space<vmem>> -> memref<128x128xf32, #tpu.memory_space<vmem>>
      %dma_wait3A_262 = arith.constant 0 : i32
      %dma_wait3A_263 = tpu.memref_slice %arg5[%add3A_256, %dma_wait3A_262] : memref<50x128xi32, #tpu.memory_space<vmem>> -> memref<1x128xi32, #tpu.memory_space<vmem>>
      %dma_wait3A_264 = tpu.memref_squeeze %dma_wait3A_263 : memref<1x128xi32, #tpu.memory_space<vmem>> -> memref<128xi32, #tpu.memory_space<vmem>>
      %dma_wait3A_265 = arith.constant 0 : i32
      %dma_wait3A_266 = arith.constant 0 : i32
      %dma_wait3A_267 = tpu.memref_slice %arg7[%dma_wait3A_265, %dma_wait3A_266] : memref<1000x128xf32, #tpu.memory_space<vmem_shared>> -> memref<1000x128xf32, #tpu.memory_space<vmem_shared>>
      tpu.wait_indirect_dma semaphore(%arg11 : memref<!tpu.dma_semaphore, #tpu.memory_space<semaphore_mem>>) src(%dma_wait3A_267 : memref<1000x128xf32, #tpu.memory_space<vmem_shared>>) dst(%dma_wait3A_261 : memref<128x128xf32, #tpu.memory_space<vmem>>)
      %dma_start3A_268 = arith.constant 3 : i32
      %dma_start3A_269 = arith.constant 0 : i32
      %dma_start3A_270 = arith.constant 0 : i32
      %dma_start3A_271 = tpu.memref_slice %arg6[%dma_start3A_268, %dma_start3A_269, %dma_start3A_270] : memref<5x128x128xf32, #tpu.memory_space<vmem>> -> memref<1x128x128xf32, #tpu.memory_space<vmem>>
      %dma_start3A_272 = tpu.memref_squeeze %dma_start3A_271 : memref<1x128x128xf32, #tpu.memory_space<vmem>> -> memref<128x128xf32, #tpu.memory_space<vmem>>
      %dma_start3A_273 = arith.constant 0 : i32
      %dma_start3A_274 = tpu.memref_slice %arg4[%add3A_256, %mul3A_2, %dma_start3A_273] : memref<50x4096x128xf32, #tpu.memory_space<hbm>> -> memref<1x128x128xf32, #tpu.memory_space<hbm>>
      %dma_start3A_275 = tpu.memref_squeeze %dma_start3A_274 : memref<1x128x128xf32, #tpu.memory_space<hbm>> -> memref<128x128xf32, #tpu.memory_space<hbm>>
      %dma_start3A_276 = arith.constant 0 : i32
      %dma_start3A_277 = tpu.memref_slice %arg4[%add3A_256, %mul3A_2, %dma_start3A_276] : memref<50x4096x128xf32, #tpu.memory_space<hbm>> -> memref<1x128x128xf32, #tpu.memory_space<hbm>>
      %dma_start3A_278 = tpu.memref_squeeze %dma_start3A_277 : memref<1x128x128xf32, #tpu.memory_space<hbm>> -> memref<128x128xf32, #tpu.memory_space<hbm>>
      %dma_start3A_279 = arith.constant 0 : i32
      %dma_start3A_280 = arith.constant 0 : i32
      %dma_start3A_281 = tpu.memref_slice %arg6[%dma_start3A_268, %dma_start3A_279, %dma_start3A_280] : memref<5x128x128xf32, #tpu.memory_space<vmem>> -> memref<1x128x128xf32, #tpu.memory_space<vmem>>
      %dma_start3A_282 = tpu.memref_squeeze %dma_start3A_281 : memref<1x128x128xf32, #tpu.memory_space<vmem>> -> memref<128x128xf32, #tpu.memory_space<vmem>>
      tpu.enqueue_dma source(%dma_start3A_282 : memref<128x128xf32, #tpu.memory_space<vmem>>) target(%dma_start3A_278 : memref<128x128xf32, #tpu.memory_space<hbm>>) target_semaphore(%arg16 : memref<!tpu.dma_semaphore, #tpu.memory_space<semaphore_mem>>)
      %ne3A_283 = arith.constant 9 : i32
      %ne3A_284 = arith.cmpi ne, %scan3A_148, %ne3A_283 : i32
      %convert_element_type3A_285 = arith.extui %ne3A_284 : i1 to i32
      %cond3A_286 = arith.constant 0 : i32
      %cond3A_287 = arith.cmpi ne, %convert_element_type3A_285, %cond3A_286 : i32
      scf.if %cond3A_287 {
        %dma_wait3A_323 = arith.constant 3 : i32
        %dma_wait3A_324 = arith.constant 0 : i32
        %dma_wait3A_325 = arith.constant 0 : i32
        %dma_wait3A_326 = tpu.memref_slice %arg6[%dma_wait3A_323, %dma_wait3A_324, %dma_wait3A_325] : memref<5x128x128xf32, #tpu.memory_space<vmem>> -> memref<1x128x128xf32, #tpu.memory_space<vmem>>
        %dma_wait3A_327 = tpu.memref_squeeze %dma_wait3A_326 : memref<1x128x128xf32, #tpu.memory_space<vmem>> -> memref<128x128xf32, #tpu.memory_space<vmem>>
        %dma_wait3A_328 = arith.constant 0 : i32
        %dma_wait3A_329 = tpu.memref_slice %arg4[%add3A_256, %mul3A_2, %dma_wait3A_328] : memref<50x4096x128xf32, #tpu.memory_space<hbm>> -> memref<1x128x128xf32, #tpu.memory_space<hbm>>
        %dma_wait3A_330 = tpu.memref_squeeze %dma_wait3A_329 : memref<1x128x128xf32, #tpu.memory_space<hbm>> -> memref<128x128xf32, #tpu.memory_space<hbm>>
        %dma_wait3A_331 = arith.constant 0 : i32
        %dma_wait3A_332 = tpu.memref_slice %arg4[%add3A_256, %mul3A_2, %dma_wait3A_331] : memref<50x4096x128xf32, #tpu.memory_space<hbm>> -> memref<1x128x128xf32, #tpu.memory_space<hbm>>
        %dma_wait3A_333 = tpu.memref_squeeze %dma_wait3A_332 : memref<1x128x128xf32, #tpu.memory_space<hbm>> -> memref<128x128xf32, #tpu.memory_space<hbm>>
        %dma_wait3A_334 = arith.constant 0 : i32
        %dma_wait3A_335 = arith.constant 0 : i32
        %dma_wait3A_336 = tpu.memref_slice %arg6[%dma_wait3A_323, %dma_wait3A_334, %dma_wait3A_335] : memref<5x128x128xf32, #tpu.memory_space<vmem>> -> memref<1x128x128xf32, #tpu.memory_space<vmem>>
        %dma_wait3A_337 = tpu.memref_squeeze %dma_wait3A_336 : memref<1x128x128xf32, #tpu.memory_space<vmem>> -> memref<128x128xf32, #tpu.memory_space<vmem>>
        tpu.wait_dma2 semaphore(%arg16 : memref<!tpu.dma_semaphore, #tpu.memory_space<semaphore_mem>>) src(%dma_wait3A_337 : memref<128x128xf32, #tpu.memory_space<vmem>>) dst(%dma_wait3A_333 : memref<128x128xf32, #tpu.memory_space<hbm>>)
        %add3A_338 = arith.constant 5 : i32
        %add3A_339 = arith.addi %add3A_256, %add3A_338 : i32
        %dma_start3A_340 = arith.constant 3 : i32
        %dma_start3A_341 = arith.constant 0 : i32
        %dma_start3A_342 = arith.constant 0 : i32
        %dma_start3A_343 = tpu.memref_slice %arg6[%dma_start3A_340, %dma_start3A_341, %dma_start3A_342] : memref<5x128x128xf32, #tpu.memory_space<vmem>> -> memref<1x128x128xf32, #tpu.memory_space<vmem>>
        %dma_start3A_344 = tpu.memref_squeeze %dma_start3A_343 : memref<1x128x128xf32, #tpu.memory_space<vmem>> -> memref<128x128xf32, #tpu.memory_space<vmem>>
        %dma_start3A_345 = arith.constant 0 : i32
        %dma_start3A_346 = tpu.memref_slice %arg5[%add3A_339, %dma_start3A_345] : memref<50x128xi32, #tpu.memory_space<vmem>> -> memref<1x128xi32, #tpu.memory_space<vmem>>
        %dma_start3A_347 = tpu.memref_squeeze %dma_start3A_346 : memref<1x128xi32, #tpu.memory_space<vmem>> -> memref<128xi32, #tpu.memory_space<vmem>>
        %dma_start3A_348 = arith.constant 0 : i32
        %dma_start3A_349 = arith.constant 0 : i32
        %dma_start3A_350 = tpu.memref_slice %arg7[%dma_start3A_348, %dma_start3A_349] : memref<1000x128xf32, #tpu.memory_space<vmem_shared>> -> memref<1000x128xf32, #tpu.memory_space<vmem_shared>>
        tpu.enqueue_indirect_dma source(%dma_start3A_350 : memref<1000x128xf32, #tpu.memory_space<vmem_shared>>) target(%dma_start3A_344 : memref<128x128xf32, #tpu.memory_space<vmem>>) offsets(%dma_start3A_347 : memref<128xi32, #tpu.memory_space<vmem>>) semaphore(%arg11 : memref<!tpu.dma_semaphore, #tpu.memory_space<semaphore_mem>>)
      } else {
      }
      %mul3A_288 = arith.constant 5 : i32
      %mul3A_289 = arith.muli %scan3A_148, %mul3A_288 : i32
      %add3A_290 = arith.constant 4 : i32
      %add3A_291 = arith.addi %mul3A_289, %add3A_290 : i32
      %dma_wait3A_292 = arith.constant 4 : i32
      %dma_wait3A_293 = arith.constant 0 : i32
      %dma_wait3A_294 = arith.constant 0 : i32
      %dma_wait3A_295 = tpu.memref_slice %arg6[%dma_wait3A_292, %dma_wait3A_293, %dma_wait3A_294] : memref<5x128x128xf32, #tpu.memory_space<vmem>> -> memref<1x128x128xf32, #tpu.memory_space<vmem>>
      %dma_wait3A_296 = tpu.memref_squeeze %dma_wait3A_295 : memref<1x128x128xf32, #tpu.memory_space<vmem>> -> memref<128x128xf32, #tpu.memory_space<vmem>>
      %dma_wait3A_297 = arith.constant 0 : i32
      %dma_wait3A_298 = tpu.memref_slice %arg5[%add3A_291, %dma_wait3A_297] : memref<50x128xi32, #tpu.memory_space<vmem>> -> memref<1x128xi32, #tpu.memory_space<vmem>>
      %dma_wait3A_299 = tpu.memref_squeeze %dma_wait3A_298 : memref<1x128xi32, #tpu.memory_space<vmem>> -> memref<128xi32, #tpu.memory_space<vmem>>
      %dma_wait3A_300 = arith.constant 0 : i32
      %dma_wait3A_301 = arith.constant 0 : i32
      %dma_wait3A_302 = tpu.memref_slice %arg7[%dma_wait3A_300, %dma_wait3A_301] : memref<1000x128xf32, #tpu.memory_space<vmem_shared>> -> memref<1000x128xf32, #tpu.memory_space<vmem_shared>>
      tpu.wait_indirect_dma semaphore(%arg12 : memref<!tpu.dma_semaphore, #tpu.memory_space<semaphore_mem>>) src(%dma_wait3A_302 : memref<1000x128xf32, #tpu.memory_space<vmem_shared>>) dst(%dma_wait3A_296 : memref<128x128xf32, #tpu.memory_space<vmem>>)
      %dma_start3A_303 = arith.constant 4 : i32
      %dma_start3A_304 = arith.constant 0 : i32
      %dma_start3A_305 = arith.constant 0 : i32
      %dma_start3A_306 = tpu.memref_slice %arg6[%dma_start3A_303, %dma_start3A_304, %dma_start3A_305] : memref<5x128x128xf32, #tpu.memory_space<vmem>> -> memref<1x128x128xf32, #tpu.memory_space<vmem>>
      %dma_start3A_307 = tpu.memref_squeeze %dma_start3A_306 : memref<1x128x128xf32, #tpu.memory_space<vmem>> -> memref<128x128xf32, #tpu.memory_space<vmem>>
      %dma_start3A_308 = arith.constant 0 : i32
      %dma_start3A_309 = tpu.memref_slice %arg4[%add3A_291, %mul3A_2, %dma_start3A_308] : memref<50x4096x128xf32, #tpu.memory_space<hbm>> -> memref<1x128x128xf32, #tpu.memory_space<hbm>>
      %dma_start3A_310 = tpu.memref_squeeze %dma_start3A_309 : memref<1x128x128xf32, #tpu.memory_space<hbm>> -> memref<128x128xf32, #tpu.memory_space<hbm>>
      %dma_start3A_311 = arith.constant 0 : i32
      %dma_start3A_312 = tpu.memref_slice %arg4[%add3A_291, %mul3A_2, %dma_start3A_311] : memref<50x4096x128xf32, #tpu.memory_space<hbm>> -> memref<1x128x128xf32, #tpu.memory_space<hbm>>
      %dma_start3A_313 = tpu.memref_squeeze %dma_start3A_312 : memref<1x128x128xf32, #tpu.memory_space<hbm>> -> memref<128x128xf32, #tpu.memory_space<hbm>>
      %dma_start3A_314 = arith.constant 0 : i32
      %dma_start3A_315 = arith.constant 0 : i32
      %dma_start3A_316 = tpu.memref_slice %arg6[%dma_start3A_303, %dma_start3A_314, %dma_start3A_315] : memref<5x128x128xf32, #tpu.memory_space<vmem>> -> memref<1x128x128xf32, #tpu.memory_space<vmem>>
      %dma_start3A_317 = tpu.memref_squeeze %dma_start3A_316 : memref<1x128x128xf32, #tpu.memory_space<vmem>> -> memref<128x128xf32, #tpu.memory_space<vmem>>
      tpu.enqueue_dma source(%dma_start3A_317 : memref<128x128xf32, #tpu.memory_space<vmem>>) target(%dma_start3A_313 : memref<128x128xf32, #tpu.memory_space<hbm>>) target_semaphore(%arg17 : memref<!tpu.dma_semaphore, #tpu.memory_space<semaphore_mem>>)
      %ne3A_318 = arith.constant 9 : i32
      %ne3A_319 = arith.cmpi ne, %scan3A_148, %ne3A_318 : i32
      %convert_element_type3A_320 = arith.extui %ne3A_319 : i1 to i32
      %cond3A_321 = arith.constant 0 : i32
      %cond3A_322 = arith.cmpi ne, %convert_element_type3A_320, %cond3A_321 : i32
      scf.if %cond3A_322 {
        %dma_wait3A_323 = arith.constant 4 : i32
        %dma_wait3A_324 = arith.constant 0 : i32
        %dma_wait3A_325 = arith.constant 0 : i32
        %dma_wait3A_326 = tpu.memref_slice %arg6[%dma_wait3A_323, %dma_wait3A_324, %dma_wait3A_325] : memref<5x128x128xf32, #tpu.memory_space<vmem>> -> memref<1x128x128xf32, #tpu.memory_space<vmem>>
        %dma_wait3A_327 = tpu.memref_squeeze %dma_wait3A_326 : memref<1x128x128xf32, #tpu.memory_space<vmem>> -> memref<128x128xf32, #tpu.memory_space<vmem>>
        %dma_wait3A_328 = arith.constant 0 : i32
        %dma_wait3A_329 = tpu.memref_slice %arg4[%add3A_291, %mul3A_2, %dma_wait3A_328] : memref<50x4096x128xf32, #tpu.memory_space<hbm>> -> memref<1x128x128xf32, #tpu.memory_space<hbm>>
        %dma_wait3A_330 = tpu.memref_squeeze %dma_wait3A_329 : memref<1x128x128xf32, #tpu.memory_space<hbm>> -> memref<128x128xf32, #tpu.memory_space<hbm>>
        %dma_wait3A_331 = arith.constant 0 : i32
        %dma_wait3A_332 = tpu.memref_slice %arg4[%add3A_291, %mul3A_2, %dma_wait3A_331] : memref<50x4096x128xf32, #tpu.memory_space<hbm>> -> memref<1x128x128xf32, #tpu.memory_space<hbm>>
        %dma_wait3A_333 = tpu.memref_squeeze %dma_wait3A_332 : memref<1x128x128xf32, #tpu.memory_space<hbm>> -> memref<128x128xf32, #tpu.memory_space<hbm>>
        %dma_wait3A_334 = arith.constant 0 : i32
        %dma_wait3A_335 = arith.constant 0 : i32
        %dma_wait3A_336 = tpu.memref_slice %arg6[%dma_wait3A_323, %dma_wait3A_334, %dma_wait3A_335] : memref<5x128x128xf32, #tpu.memory_space<vmem>> -> memref<1x128x128xf32, #tpu.memory_space<vmem>>
        %dma_wait3A_337 = tpu.memref_squeeze %dma_wait3A_336 : memref<1x128x128xf32, #tpu.memory_space<vmem>> -> memref<128x128xf32, #tpu.memory_space<vmem>>
        tpu.wait_dma2 semaphore(%arg17 : memref<!tpu.dma_semaphore, #tpu.memory_space<semaphore_mem>>) src(%dma_wait3A_337 : memref<128x128xf32, #tpu.memory_space<vmem>>) dst(%dma_wait3A_333 : memref<128x128xf32, #tpu.memory_space<hbm>>)
        %add3A_338 = arith.constant 5 : i32
        %add3A_339 = arith.addi %add3A_291, %add3A_338 : i32
        %dma_start3A_340 = arith.constant 4 : i32
        %dma_start3A_341 = arith.constant 0 : i32
        %dma_start3A_342 = arith.constant 0 : i32
        %dma_start3A_343 = tpu.memref_slice %arg6[%dma_start3A_340, %dma_start3A_341, %dma_start3A_342] : memref<5x128x128xf32, #tpu.memory_space<vmem>> -> memref<1x128x128xf32, #tpu.memory_space<vmem>>
        %dma_start3A_344 = tpu.memref_squeeze %dma_start3A_343 : memref<1x128x128xf32, #tpu.memory_space<vmem>> -> memref<128x128xf32, #tpu.memory_space<vmem>>
        %dma_start3A_345 = arith.constant 0 : i32
        %dma_start3A_346 = tpu.memref_slice %arg5[%add3A_339, %dma_start3A_345] : memref<50x128xi32, #tpu.memory_space<vmem>> -> memref<1x128xi32, #tpu.memory_space<vmem>>
        %dma_start3A_347 = tpu.memref_squeeze %dma_start3A_346 : memref<1x128xi32, #tpu.memory_space<vmem>> -> memref<128xi32, #tpu.memory_space<vmem>>
        %dma_start3A_348 = arith.constant 0 : i32
        %dma_start3A_349 = arith.constant 0 : i32
        %dma_start3A_350 = tpu.memref_slice %arg7[%dma_start3A_348, %dma_start3A_349] : memref<1000x128xf32, #tpu.memory_space<vmem_shared>> -> memref<1000x128xf32, #tpu.memory_space<vmem_shared>>
        tpu.enqueue_indirect_dma source(%dma_start3A_350 : memref<1000x128xf32, #tpu.memory_space<vmem_shared>>) target(%dma_start3A_344 : memref<128x128xf32, #tpu.memory_space<vmem>>) offsets(%dma_start3A_347 : memref<128xi32, #tpu.memory_space<vmem>>) semaphore(%arg12 : memref<!tpu.dma_semaphore, #tpu.memory_space<semaphore_mem>>)
      } else {
      }
    }
    %scan3A_68 = arith.constant 10 : i32
    %dma_wait3A = arith.constant 0 : i32
    %dma_wait3A_69 = arith.constant 45 : i32
    %dma_wait3A_70 = arith.constant 0 : i32
    %dma_wait3A_71 = arith.constant 0 : i32
    %dma_wait3A_72 = tpu.memref_slice %arg6[%dma_wait3A, %dma_wait3A_70, %dma_wait3A_71] : memref<5x128x128xf32, #tpu.memory_space<vmem>> -> memref<1x128x128xf32, #tpu.memory_space<vmem>>
    %dma_wait3A_73 = tpu.memref_squeeze %dma_wait3A_72 : memref<1x128x128xf32, #tpu.memory_space<vmem>> -> memref<128x128xf32, #tpu.memory_space<vmem>>
    %dma_wait3A_74 = arith.constant 0 : i32
    %dma_wait3A_75 = tpu.memref_slice %arg4[%dma_wait3A_69, %mul3A_2, %dma_wait3A_74] : memref<50x4096x128xf32, #tpu.memory_space<hbm>> -> memref<1x128x128xf32, #tpu.memory_space<hbm>>
    %dma_wait3A_76 = tpu.memref_squeeze %dma_wait3A_75 : memref<1x128x128xf32, #tpu.memory_space<hbm>> -> memref<128x128xf32, #tpu.memory_space<hbm>>
    %dma_wait3A_77 = arith.constant 0 : i32
    %dma_wait3A_78 = tpu.memref_slice %arg4[%dma_wait3A_69, %mul3A_2, %dma_wait3A_77] : memref<50x4096x128xf32, #tpu.memory_space<hbm>> -> memref<1x128x128xf32, #tpu.memory_space<hbm>>
    %dma_wait3A_79 = tpu.memref_squeeze %dma_wait3A_78 : memref<1x128x128xf32, #tpu.memory_space<hbm>> -> memref<128x128xf32, #tpu.memory_space<hbm>>
    %dma_wait3A_80 = arith.constant 0 : i32
    %dma_wait3A_81 = arith.constant 0 : i32
    %dma_wait3A_82 = tpu.memref_slice %arg6[%dma_wait3A, %dma_wait3A_80, %dma_wait3A_81] : memref<5x128x128xf32, #tpu.memory_space<vmem>> -> memref<1x128x128xf32, #tpu.memory_space<vmem>>
    %dma_wait3A_83 = tpu.memref_squeeze %dma_wait3A_82 : memref<1x128x128xf32, #tpu.memory_space<vmem>> -> memref<128x128xf32, #tpu.memory_space<vmem>>
    tpu.wait_dma2 semaphore(%arg13 : memref<!tpu.dma_semaphore, #tpu.memory_space<semaphore_mem>>) src(%dma_wait3A_83 : memref<128x128xf32, #tpu.memory_space<vmem>>) dst(%dma_wait3A_79 : memref<128x128xf32, #tpu.memory_space<hbm>>)
    %dma_wait3A_84 = arith.constant 1 : i32
    %dma_wait3A_85 = arith.constant 46 : i32
    %dma_wait3A_86 = arith.constant 0 : i32
    %dma_wait3A_87 = arith.constant 0 : i32
    %dma_wait3A_88 = tpu.memref_slice %arg6[%dma_wait3A_84, %dma_wait3A_86, %dma_wait3A_87] : memref<5x128x128xf32, #tpu.memory_space<vmem>> -> memref<1x128x128xf32, #tpu.memory_space<vmem>>
    %dma_wait3A_89 = tpu.memref_squeeze %dma_wait3A_88 : memref<1x128x128xf32, #tpu.memory_space<vmem>> -> memref<128x128xf32, #tpu.memory_space<vmem>>
    %dma_wait3A_90 = arith.constant 0 : i32
    %dma_wait3A_91 = tpu.memref_slice %arg4[%dma_wait3A_85, %mul3A_2, %dma_wait3A_90] : memref<50x4096x128xf32, #tpu.memory_space<hbm>> -> memref<1x128x128xf32, #tpu.memory_space<hbm>>
    %dma_wait3A_92 = tpu.memref_squeeze %dma_wait3A_91 : memref<1x128x128xf32, #tpu.memory_space<hbm>> -> memref<128x128xf32, #tpu.memory_space<hbm>>
    %dma_wait3A_93 = arith.constant 0 : i32
    %dma_wait3A_94 = tpu.memref_slice %arg4[%dma_wait3A_85, %mul3A_2, %dma_wait3A_93] : memref<50x4096x128xf32, #tpu.memory_space<hbm>> -> memref<1x128x128xf32, #tpu.memory_space<hbm>>
    %dma_wait3A_95 = tpu.memref_squeeze %dma_wait3A_94 : memref<1x128x128xf32, #tpu.memory_space<hbm>> -> memref<128x128xf32, #tpu.memory_space<hbm>>
    %dma_wait3A_96 = arith.constant 0 : i32
    %dma_wait3A_97 = arith.constant 0 : i32
    %dma_wait3A_98 = tpu.memref_slice %arg6[%dma_wait3A_84, %dma_wait3A_96, %dma_wait3A_97] : memref<5x128x128xf32, #tpu.memory_space<vmem>> -> memref<1x128x128xf32, #tpu.memory_space<vmem>>
    %dma_wait3A_99 = tpu.memref_squeeze %dma_wait3A_98 : memref<1x128x128xf32, #tpu.memory_space<vmem>> -> memref<128x128xf32, #tpu.memory_space<vmem>>
    tpu.wait_dma2 semaphore(%arg14 : memref<!tpu.dma_semaphore, #tpu.memory_space<semaphore_mem>>) src(%dma_wait3A_99 : memref<128x128xf32, #tpu.memory_space<vmem>>) dst(%dma_wait3A_95 : memref<128x128xf32, #tpu.memory_space<hbm>>)
    %dma_wait3A_100 = arith.constant 2 : i32
    %dma_wait3A_101 = arith.constant 47 : i32
    %dma_wait3A_102 = arith.constant 0 : i32
    %dma_wait3A_103 = arith.constant 0 : i32
    %dma_wait3A_104 = tpu.memref_slice %arg6[%dma_wait3A_100, %dma_wait3A_102, %dma_wait3A_103] : memref<5x128x128xf32, #tpu.memory_space<vmem>> -> memref<1x128x128xf32, #tpu.memory_space<vmem>>
    %dma_wait3A_105 = tpu.memref_squeeze %dma_wait3A_104 : memref<1x128x128xf32, #tpu.memory_space<vmem>> -> memref<128x128xf32, #tpu.memory_space<vmem>>
    %dma_wait3A_106 = arith.constant 0 : i32
    %dma_wait3A_107 = tpu.memref_slice %arg4[%dma_wait3A_101, %mul3A_2, %dma_wait3A_106] : memref<50x4096x128xf32, #tpu.memory_space<hbm>> -> memref<1x128x128xf32, #tpu.memory_space<hbm>>
    %dma_wait3A_108 = tpu.memref_squeeze %dma_wait3A_107 : memref<1x128x128xf32, #tpu.memory_space<hbm>> -> memref<128x128xf32, #tpu.memory_space<hbm>>
    %dma_wait3A_109 = arith.constant 0 : i32
    %dma_wait3A_110 = tpu.memref_slice %arg4[%dma_wait3A_101, %mul3A_2, %dma_wait3A_109] : memref<50x4096x128xf32, #tpu.memory_space<hbm>> -> memref<1x128x128xf32, #tpu.memory_space<hbm>>
    %dma_wait3A_111 = tpu.memref_squeeze %dma_wait3A_110 : memref<1x128x128xf32, #tpu.memory_space<hbm>> -> memref<128x128xf32, #tpu.memory_space<hbm>>
    %dma_wait3A_112 = arith.constant 0 : i32
    %dma_wait3A_113 = arith.constant 0 : i32
    %dma_wait3A_114 = tpu.memref_slice %arg6[%dma_wait3A_100, %dma_wait3A_112, %dma_wait3A_113] : memref<5x128x128xf32, #tpu.memory_space<vmem>> -> memref<1x128x128xf32, #tpu.memory_space<vmem>>
    %dma_wait3A_115 = tpu.memref_squeeze %dma_wait3A_114 : memref<1x128x128xf32, #tpu.memory_space<vmem>> -> memref<128x128xf32, #tpu.memory_space<vmem>>
    tpu.wait_dma2 semaphore(%arg15 : memref<!tpu.dma_semaphore, #tpu.memory_space<semaphore_mem>>) src(%dma_wait3A_115 : memref<128x128xf32, #tpu.memory_space<vmem>>) dst(%dma_wait3A_111 : memref<128x128xf32, #tpu.memory_space<hbm>>)
    %dma_wait3A_116 = arith.constant 3 : i32
    %dma_wait3A_117 = arith.constant 48 : i32
    %dma_wait3A_118 = arith.constant 0 : i32
    %dma_wait3A_119 = arith.constant 0 : i32
    %dma_wait3A_120 = tpu.memref_slice %arg6[%dma_wait3A_116, %dma_wait3A_118, %dma_wait3A_119] : memref<5x128x128xf32, #tpu.memory_space<vmem>> -> memref<1x128x128xf32, #tpu.memory_space<vmem>>
    %dma_wait3A_121 = tpu.memref_squeeze %dma_wait3A_120 : memref<1x128x128xf32, #tpu.memory_space<vmem>> -> memref<128x128xf32, #tpu.memory_space<vmem>>
    %dma_wait3A_122 = arith.constant 0 : i32
    %dma_wait3A_123 = tpu.memref_slice %arg4[%dma_wait3A_117, %mul3A_2, %dma_wait3A_122] : memref<50x4096x128xf32, #tpu.memory_space<hbm>> -> memref<1x128x128xf32, #tpu.memory_space<hbm>>
    %dma_wait3A_124 = tpu.memref_squeeze %dma_wait3A_123 : memref<1x128x128xf32, #tpu.memory_space<hbm>> -> memref<128x128xf32, #tpu.memory_space<hbm>>
    %dma_wait3A_125 = arith.constant 0 : i32
    %dma_wait3A_126 = tpu.memref_slice %arg4[%dma_wait3A_117, %mul3A_2, %dma_wait3A_125] : memref<50x4096x128xf32, #tpu.memory_space<hbm>> -> memref<1x128x128xf32, #tpu.memory_space<hbm>>
    %dma_wait3A_127 = tpu.memref_squeeze %dma_wait3A_126 : memref<1x128x128xf32, #tpu.memory_space<hbm>> -> memref<128x128xf32, #tpu.memory_space<hbm>>
    %dma_wait3A_128 = arith.constant 0 : i32
    %dma_wait3A_129 = arith.constant 0 : i32
    %dma_wait3A_130 = tpu.memref_slice %arg6[%dma_wait3A_116, %dma_wait3A_128, %dma_wait3A_129] : memref<5x128x128xf32, #tpu.memory_space<vmem>> -> memref<1x128x128xf32, #tpu.memory_space<vmem>>
    %dma_wait3A_131 = tpu.memref_squeeze %dma_wait3A_130 : memref<1x128x128xf32, #tpu.memory_space<vmem>> -> memref<128x128xf32, #tpu.memory_space<vmem>>
    tpu.wait_dma2 semaphore(%arg16 : memref<!tpu.dma_semaphore, #tpu.memory_space<semaphore_mem>>) src(%dma_wait3A_131 : memref<128x128xf32, #tpu.memory_space<vmem>>) dst(%dma_wait3A_127 : memref<128x128xf32, #tpu.memory_space<hbm>>)
    %dma_wait3A_132 = arith.constant 4 : i32
    %dma_wait3A_133 = arith.constant 49 : i32
    %dma_wait3A_134 = arith.constant 0 : i32
    %dma_wait3A_135 = arith.constant 0 : i32
    %dma_wait3A_136 = tpu.memref_slice %arg6[%dma_wait3A_132, %dma_wait3A_134, %dma_wait3A_135] : memref<5x128x128xf32, #tpu.memory_space<vmem>> -> memref<1x128x128xf32, #tpu.memory_space<vmem>>
    %dma_wait3A_137 = tpu.memref_squeeze %dma_wait3A_136 : memref<1x128x128xf32, #tpu.memory_space<vmem>> -> memref<128x128xf32, #tpu.memory_space<vmem>>
    %dma_wait3A_138 = arith.constant 0 : i32
    %dma_wait3A_139 = tpu.memref_slice %arg4[%dma_wait3A_133, %mul3A_2, %dma_wait3A_138] : memref<50x4096x128xf32, #tpu.memory_space<hbm>> -> memref<1x128x128xf32, #tpu.memory_space<hbm>>
    %dma_wait3A_140 = tpu.memref_squeeze %dma_wait3A_139 : memref<1x128x128xf32, #tpu.memory_space<hbm>> -> memref<128x128xf32, #tpu.memory_space<hbm>>
    %dma_wait3A_141 = arith.constant 0 : i32
    %dma_wait3A_142 = tpu.memref_slice %arg4[%dma_wait3A_133, %mul3A_2, %dma_wait3A_141] : memref<50x4096x128xf32, #tpu.memory_space<hbm>> -> memref<1x128x128xf32, #tpu.memory_space<hbm>>
    %dma_wait3A_143 = tpu.memref_squeeze %dma_wait3A_142 : memref<1x128x128xf32, #tpu.memory_space<hbm>> -> memref<128x128xf32, #tpu.memory_space<hbm>>
    %dma_wait3A_144 = arith.constant 0 : i32
    %dma_wait3A_145 = arith.constant 0 : i32
    %dma_wait3A_146 = tpu.memref_slice %arg6[%dma_wait3A_132, %dma_wait3A_144, %dma_wait3A_145] : memref<5x128x128xf32, #tpu.memory_space<vmem>> -> memref<1x128x128xf32, #tpu.memory_space<vmem>>
    %dma_wait3A_147 = tpu.memref_squeeze %dma_wait3A_146 : memref<1x128x128xf32, #tpu.memory_space<vmem>> -> memref<128x128xf32, #tpu.memory_space<vmem>>
    tpu.wait_dma2 semaphore(%arg17 : memref<!tpu.dma_semaphore, #tpu.memory_space<semaphore_mem>>) src(%dma_wait3A_147 : memref<128x128xf32, #tpu.memory_space<vmem>>) dst(%dma_wait3A_143 : memref<128x128xf32, #tpu.memory_space<hbm>>)
    return
  }
}

</mosaic_0001>

<sc_bundles>
// kernel: kernel.3.cloned.1.call-start
scs
__scs_entry_jumppad:
0x0: {  	(pc) =	sbr.rel $0x88, $3  }
0x1: {  	(tag) =	ssettag $0x0;
	lr =	simm.s32 $0x1  }
0x2: {  	[smem:$0x3F9F] =	sst lr;
	_ =	strace $0xD0000000  }
0x3: {  	_ = 	snop  }
0x4: {  	_ = 	snop  }
0x5: {  	_ = 	snop  }
0x6: {  	_ = 	snop  }
0x7: {  	_ = 	snop  }
__scs_overlays_trampoline_lowered:
0x8: {  	[smem:$0x3FAE] =	sst s0  }
0x9: {  	[smem:$0x3FAF] =	sst s1  }
0xa: {  	[smem:$0x3FB0] =	sst s2  }
0xb: {  	[smem:$0x3FB1] =	sst s3  }
0xc: {  	[smem:$0x3FB2] =	sst s4  }
0xd: {  	[smem:$0x3FB3] =	sst s5  }
0xe: {  	[smem:$0x3FB4] =	sst s6  }
0xf: {  	[smem:$0x3FB5] =	sst s7  }
0x10: {  	[smem:$0x3FB6] =	sst s8  }
0x11: {  	[smem:$0x3FB7] =	sst s9;
	s0 =	simm.s32 @!p0 $0x0  }
0x12: {  	s1 =	sld [smem:$0x3F9D];
	s0 =	simm.s32 @p0 $0x1  }
0x13: {  	[smem:$0x3FB8] =	sst s0;
	s0 =	simm.s32 @!p1 $0x0  }
0x14: {  	s2 =	sld [smem:$0x3F9C];
	s0 =	simm.s32 @p1 $0x1  }
0x15: {  	[smem:$0x3FB9] =	sst s0;
	s0 =	simm.s32 @!p2 $0x0  }
0x16: {  	s3 =	sld [smem:$0x3FDB];
	s0 =	simm.s32 @p2 $0x1  }
0x17: {  	s4 =	simm.s32 $0x1BF5;
	[smem:$0x3FBB] =	sst s0  }
0x18: {  	s0 =	sld [smem:$0x3F9E];
	_ =	swait.ge [sflag:s4], $0x0  }
0x19: {  	s7 =	sld [smem:$0x3F9F]  }
0x1a: {  	s8 =	sadd.s32 $0xFFFFE003, lr  }
0x1b: {  	s9 =	sadd.s32 $0xFFFFFEF7, lr;
	s5 =	simm.s32 $0xFFFFFFFF;
	p2 =	slt.u32 s8, $0xFFFFF086  }
0x1c: {  	p1 =	slt.u32 s9, $0xF7A;
	s5 =	simm.s32 @!p2 $0x0  }
0x1d: {  	s5 =	simm.s32 @p1 $0x1;
	p0 =	seq.s32 s7, s2  }
0x1e: {  	s7 =	smul.u32 @!p0 $0xF7A, s2;
	p2 =	seq.s32 @!p0 s5, $0x0  }
0x1f: {  	s9 =	smul.u32 $0xF7A, s1;
	s8 =	simm.s32 @!p0 $0x1BF5;
	p2 =	por !p2, p0  }
0x20: {  	[sflag:s8] =	ssyncset.s32 @!p0 $0xFFFFF086;
	s6 =	sadd.s32 @!p0 s3, s7;
	s7 =	simm.s32 @!p0 $0x108  }
0x21: {  	s3 =	sadd.s32 s3, s9;
	s6 =	sadd.s32 @!p0 $0x88, s6;
	s7 =	simm.s32 @p2 $0x1082  }
0x22: {  	[simem:s7], [sflag:s8] =	dma.local @!p0 [hbm:s6], $0xF7A  }
0x23: {  	s9 =	sor.u32 $0xD0000000, s2;
	s6 =	simm.s32 $0x108;
	_ =	swait.ge @!p0 [sflag:s8], $0x0  }
0x24: {  	s3 =	sadd.s32 $0x88, s3;
	s6 =	simm.s32 @!p1 $0x1082;
	[sflag:s4] =	ssyncset.s32 $0xFFFFF086  }
0x25: {  	[simem:s6], [sflag:s4] =	dma.local [hbm:s3], $0xF7A  }
0x26: {  	[smem:$0x3F9F] =	sst s1;
	(tag) =	ssettag s2;
	_ =	strace s9  }
0x27: {  	s1 =	sld [smem:$0x3FAF]  }
0x28: {  	s2 =	sld [smem:$0x3FB0]  }
0x29: {  	s4 =	sld [smem:$0x3FB2]  }
0x2a: {  	p0 =	seq.s32 s5, $0x0;
	s5 =	sld [smem:$0x3FB3]  }
0x2b: {  	s6 =	sld [smem:$0x3FB4]  }
0x2c: {  	s7 =	sld [smem:$0x3FB5]  }
0x2d: {  	s3 =	simm.s32 $0x108;
	s8 =	sld [smem:$0x3FB6]  }
0x2e: {  	s3 =	simm.s32 @!p0 $0x1082;
	s9 =	sld [smem:$0x3FB7]  }
0x2f: {  	lr =	sadd.s32 s0, s3;
	s0 =	sld [smem:$0x3FAE]  }
0x30: {  	s3 =	sld [smem:$0x3FB1]  }
0x31: {  	[smem:$0x3FBA] =	sst s10  }
0x32: {  	s10 =	sld [smem:$0x3FB8];
	_ =	sdelay $0x3  }
0x33: {  	p0 =	seq.s32 s10, $0x1;
	s10 =	sld [smem:$0x3FBA];
	_ =	sdelay $0x3  }
0x34: {  	[smem:$0x3FBA] =	sst s10  }
0x35: {  	s10 =	sld [smem:$0x3FB9];
	_ =	sdelay $0x3  }
0x36: {  	p1 =	seq.s32 s10, $0x1;
	s10 =	sld [smem:$0x3FBA];
	_ =	sdelay $0x3  }
0x37: {  	[smem:$0x3FBA] =	sst s10  }
0x38: {  	s10 =	sld [smem:$0x3FBB]  }
0x39: {  	_ = 	snop;
	(pc) =	sbr.ind lr, $3  }
0x3a: {  	_ = 	snop  }
0x3b: {  	_ = 	snop  }
0x3c: {  	p2 =	seq.s32 s10, $0x1;
	s10 =	sld [smem:$0x3FBA]  }
0x3d: {  	_ =	shalt  }
0x3e: {  	_ =	shalt  }
0x3f: {  	_ =	shalt  }
0x40: {  	_ =	shalt  }
0x41: {  	_ =	shalt  }
0x42: {  	_ =	shalt  }
0x43: {  	_ =	shalt  }
0x44: {  	_ =	shalt  }
0x45: {  	_ =	shalt  }
0x46: {  	_ =	shalt  }
0x47: {  	_ =	shalt  }
0x48: {  	_ =	shalt  }
0x49: {  	_ =	shalt  }
0x4a: {  	_ =	shalt  }
0x4b: {  	_ =	shalt  }
0x4c: {  	_ =	shalt  }
0x4d: {  	_ =	shalt  }
0x4e: {  	_ =	shalt  }
0x4f: {  	_ =	shalt  }
0x50: {  	_ =	shalt  }
0x51: {  	_ =	shalt  }
0x52: {  	_ =	shalt  }
0x53: {  	_ =	shalt  }
0x54: {  	_ =	shalt  }
0x55: {  	_ =	shalt  }
0x56: {  	_ =	shalt  }
0x57: {  	_ =	shalt  }
0x58: {  	_ =	shalt  }
0x59: {  	_ =	shalt  }
0x5a: {  	_ =	shalt  }
0x5b: {  	_ =	shalt  }
0x5c: {  	_ =	shalt  }
0x5d: {  	_ =	shalt  }
0x5e: {  	_ =	shalt  }
0x5f: {  	_ =	shalt  }
0x60: {  	_ =	shalt  }
0x61: {  	_ =	shalt  }
0x62: {  	_ =	shalt  }
0x63: {  	_ =	shalt  }
0x64: {  	_ =	shalt  }
0x65: {  	_ =	shalt  }
0x66: {  	_ =	shalt  }
0x67: {  	_ =	shalt  }
0x68: {  	_ =	shalt  }
0x69: {  	_ =	shalt  }
0x6a: {  	_ =	shalt  }
0x6b: {  	_ =	shalt  }
0x6c: {  	_ =	shalt  }
0x6d: {  	_ =	shalt  }
0x6e: {  	_ =	shalt  }
0x6f: {  	_ =	shalt  }
0x70: {  	_ =	shalt  }
0x71: {  	_ =	shalt  }
0x72: {  	_ =	shalt  }
0x73: {  	_ =	shalt  }
0x74: {  	_ =	shalt  }
0x75: {  	_ =	shalt  }
0x76: {  	_ =	shalt  }
0x77: {  	_ =	shalt  }
0x78: {  	_ =	shalt  }
0x79: {  	_ =	shalt  }
0x7a: {  	_ =	shalt  }
0x7b: {  	_ =	shalt  }
0x7c: {  	_ =	shalt  }
0x7d: {  	_ =	shalt  }
0x7e: {  	_ =	shalt  }
0x7f: {  	_ =	shalt  }
0x80: {  	_ =	shalt  }
0x81: {  	_ =	shalt  }
0x82: {  	_ =	shalt  }
0x83: {  	_ =	shalt  }
0x84: {  	_ =	shalt  }
0x85: {  	_ =	shalt  }
0x86: {  	_ =	shalt  }
0x87: {  	_ =	shalt  }
.Lfunc_end0:
.L_simem_size_0:
called_computation_lowered:
.L_overlay_start_0:
0x88: {  	s2 =	sld [smem:$0x3FD9]  }
0x89: {  	s3 =	sld [smem:$0x3FFE];
	_ =	sdelay $0x1  }
0x8a: {  	s1 =	srdreg.scid  }
0x8b: {  	s0 =	sand.u32 $0x1, s1  }
0x8c: {  	s18 =	sshll.u32 s0, $0xA;
	s2 =	sadd.s32 s3, s2  }
0x8d: {  	s2 =	sadd.s32 s2, s18  }
0x8e: {  	[smem:$0x3FC6] =	sst s2  }
0x8f: {  	_ = 	snop  }
0x90: {  	s2 =	sld [smem:$0x3FC9]  }
0x91: {  	s19 =	sld [smem:$0x3FC8]  }
0x92: {  	s4 =	sld [smem:$0x3FD0];
	(tm) =	ssettm $0x1  }
0x93: {  	s5 =	sld [smem:$0x3FFB];
	_ =	sdelay $0x3  }
0x94: {  	_ =	strace s5  }
0x95: {  	s5 =	sld [smem:$0x3FFC];
	_ =	sdelay $0x3  }
0x96: {  	_ =	strace s5  }
0x97: {  	s5 =	sld [smem:$0x3FFD];
	_ =	sdelay $0x3  }
0x98: {  	_ =	strace s5  }
0x99: {  	_ =	strace $0x8FFFFFFF  }
0x9a: {  	s20 =	sld [smem:$0x3FDB];
	_ =	sdelay $0x1  }
0x9b: {  	s6 =	simm.s32 $_scs_section_size  }
0x9c: {  	s7 =	simm.s32 $_size__tile_overlayer_lowered;
	s8 =	simm.s32 $_tile_overlayer_lowered  }
0x9d: {  	s23 =	simm.s32 $0x1BFF;
	s22 =	sshll.u32 s8, $0x1;
	s5 =	sadd.s32 s6, s20  }
0x9e: {  	s9 =	simm.s32 $0x0;
	s21 =	sshll.u32 s7, $0x1;
	s7 =	sadd.s32 s22, s5  }
0x9f: {  	[timem:s9], [sflag:s23] =	dma.local [hbm:s7], s21  }
0xa0: {  	_ =	swait.ge [sflag:s23], s21  }
0xa1: {  	s6 =	ssub.s32 $0x0, s21;
	[sflag:s23] =	ssyncset.done $0x0  }
0xa2: {  	[sflag:s23] =	ssyncadd.s32 s6;
	_ =	sdelay $0x1  }
0xa3: {  	s24 =	simm.s32 $0x1B8B  }
0xa4: {  	_ =	swait.ge [sflag:s24], $0x1  }
0xa5: {  	[sflag:s24] =	ssyncset.done $0x0  }
0xa6: {  	s25 =	simm.s32 $0x1B8E;
	[sflag:s24] =	ssyncadd.s32 $0xFFFFFFFF  }
0xa7: {  	s26 =	simm.s32 $execute0_lowered;
	[smem:$0x3FD2] =	sst s25  }
0xa8: {  	s6 =	sshll.u32 s26, $0x1;
	_ =	strace $0x80000046;
	[dreg:$0x1] =	wrdreg $0xFFFFFFFF  }
0xa9: {  	s28 =	simm.s32 $_size_execute0_lowered;
	s5 =	sadd.s32 s5, s6;
	[dreg:$0x0] =	wrdreg $0x0  }
0xaa: {  	s6 =	sshll.u32 s28, $0x1;
	[dreg:$0x2] =	wrdreg s5  }
0xab: {  	[dreg:$0x3] =	wrdreg s6  }
0xac: {  	[dreg:$0x4] =	wrdreg $0xC0  }
0xad: {  	_ =	task [dreg:s9], $0x5FFFF  }
0xae: {  	[dreg:$0x1] =	wrdreg $0xFFFFFFFF  }
0xaf: {  	[dreg:$0x0] =	wrdreg $0x60  }
0xb0: {  	[dreg:$0x2] =	wrdreg s19  }
0xb1: {  	[dreg:$0x3] =	wrdreg s2  }
0xb2: {  	[dreg:$0x4] =	wrdreg s4  }
0xb3: {  	[dreg:$0x5] =	wrdreg $0x15C000  }
0xb4: {  	[dreg:$0x6] =	wrdreg $0x9  }
0xb5: {  	_ =	task.clear_ibuf [dreg:s9], $0x7FFFF;
	_ =	strace $0x90000046  }
0xb6: {  	s29 =	simm.s32 $0x9;
	_ =	strace $0x80000048  }
0xb7: {  	_ =	swait.ge [sflag:s29], $0x1  }
0xb8: {  	[sflag:s29] =	ssyncadd.s32 $0xFFFFFFFF  }
0xb9: {  	_ =	strace $0x90000048  }
0xba: {  	_ =	sfence  }
0xbb: {  	s30 =	sld [smem:$0x0];
	_ =	sdelay $0x2  }
0xbc: {  	s31 =	sshll.u32 s1, $0xD;
	s1 =	sshrl.u32 s1, $0x2  }
0xbd: {  	s3 =	sand.u32 $0x4000, s31;
	s1 =	sadd.s32 s1, s30  }
0xbe: {  	s0 =	sor.u32 s3, s0;
	s1 =	sshll.u32 s1, $0x11  }
0xbf: {  	s0 =	sor.u32 s1, s0  }
0xc0: {  	s0 =	sadd.s32 $0x8F2B, s0  }
0xc1: {  	[sflag:s0] =	ssyncadd.remote.s32 $0x1  }
0xc2: {  	_ =	sfence.sel $0xFFFF  }
0xc3: {  	[dreg:$0x0] =	wrdreg $0xFFFFFFFF;
	(pc) =	sbr.abs _section_cstart, $3  }
0xc4: {  	[dreg:$0x1] =	wrdreg $0xFFFFFFFF  }
0xc5: {  	_ =	task.clear_ibuf [dreg:s9], $0x2FFFF;
	_ =	strace $0x9FFFFFFF  }
0xc6: {  	(tm) =	ssettm $0x7FFFFFFF  }
0xc7: {  	_ =	shalt  }
tec
execute0_lowered:
.L_overlay_start_1:
0x0: {  	(tag) =	ssettag $0x1  }
0x1: {  	s0 =	rddreg [dreg:$0x1]  }
0x2: {  	s1 =	rddreg [dreg:$0x2]  }
0x3: {  	s2 =	rddreg [dreg:$0x3];
	s4 =	srdreg.scid;
	s3 =	simm.s32 $0x0  }
0x4: {  	s8 =	stileid.u32;
	s28 =	simm.s32 $0x11C00;
	s29 =	simm.s32 $0x1  }
0x5: {  	s30 =	simm.s32 $0x3;
	s31 =	simm.s32 $0x5;
	s14 =	simm.s32 $0x8  }
0x6: {  	s4 =	sand.u32 $0x1, s4;
	[smem:$0x7FF] =	sst s3;
	s7 =	sshll.u32 s8, $0x8  }
0x7: {  	s16 =	sshll.u32 s8, $0xF;
	p0 =	sne.s32 s8, $0x0;
	s5 =	ssub.s32 $0x2, s4  }
0x8: {  	s9 =	sshll.u32 s4, $0x7;
	_ =	strace $0x80000047;
	s4 =	sshll.u32 s4, $0xE  }
0x9: {  	s6 =	sshrl.u32 s5, $0x1;
	s15 =	sor.u32 s9, s7;
	s4 =	sor.u32 s4, s16  }
0xa: {  	s5 =	ssub.s32 s5, s6;
	s7 =	sshll.u32 s15, $0x4;
	s10 =	sadd.s32 s0, s15  }
0xb: {  	s18 =	sor.u32 $0x200000, s4;
	s9 =	sor.u32 $0x180000, s4;
	s21 =	sor.u32 $0x100000, s4  }
0xc: {  	s23 =	sor.u32 $0x80000, s4;
	s4 =	sshrl.u32 s4, $0x3;
	s15 =	simm.s32 $0x9  }
0xd: {  	s17 =	sadd.s32 s7, s1;
	s5 =	smax.u32 s5, $0x1;
	s19 =	sshrl.u32 s18, $0x3  }
0xe: {  	s20 =	sshrl.u32 s9, $0x3;
	s22 =	sshrl.u32 s21, $0x3;
	s24 =	sshrl.u32 s23, $0x3  }
0xf: {  	s25 =	sadd.s32 s4, s1;
	s16 =	smov.u32 s10;
	s26 =	sadd.s32 $0x6000, s10  }
0x10: {  	s18 =	simm.s32 $0xB;
	s23 =	simm.s32 $0x9C00;
	[dreg:$0x5] =	wrdreg s5  }
0x11: {  	s21 =	simm.s32 $0x0;
	s6 =	sadd.s32 $0x2E0000, s17;
	[dreg:$0xa] =	wrdreg s25  }
0x12: {  	s7 =	sadd.s32 $0x300000, s17;
	s0 =	sadd.s32 s19, s1;
	[dreg:$0xc] =	wrdreg s26  }
.Ltmp0:
0x13: {  	[dreg:$0x6] =	wrdreg s0;
	s0 =	sadd.s32 s20, s1;
	(pc) =	sbr.rel .LBB2_1-.Ltmp0, $4  }
0x14: {  	s19 =	simm.s32 $0x80;
	[dreg:$0x7] =	wrdreg s0;
	s0 =	sadd.s32 s22, s1  }
0x15: {  	s17 =	simm.s32 $0xA;
	[dreg:$0x8] =	wrdreg s0;
	s0 =	sadd.s32 s24, s1  }
0x16: {  	s20 =	simm.s32 $0x1C00;
	[dreg:$0x9] =	wrdreg s0;
	s0 =	sshrl.u32 @!p0 s2, $0x3  }
0x17: {  	s1 =	simm.s32 $0x7;
	[dreg:$0xb] =	wrdreg s0;
	s0 =	simm.s32 $0x6  }
.LBB2_4:
0x18: {  	_ =	swait.ge [sflag:s0], $0x4000  }
0x19: {  	[sflag:s0] =	ssyncset.done $0x0  }
0x1a: {  	[sflag:s0] =	ssyncadd.s32 $0xFFFFC000  }
0x1b: {  	_ =	swait.ge [sflag:s1], $0x4000  }
0x1c: {  	[sflag:s1] =	ssyncset.done $0x0  }
0x1d: {  	[sflag:s1] =	ssyncadd.s32 $0xFFFFC000  }
0x1e: {  	_ =	swait.ge [sflag:s14], $0x4000  }
0x1f: {  	[sflag:s14] =	ssyncset.done $0x0  }
0x20: {  	[sflag:s14] =	ssyncadd.s32 $0xFFFFC000  }
0x21: {  	_ =	swait.ge [sflag:s15], $0x4000  }
0x22: {  	[sflag:s15] =	ssyncset.done $0x0  }
0x23: {  	[sflag:s15] =	ssyncadd.s32 $0xFFFFC000  }
0x24: {  	_ =	swait.ge [sflag:s17], $0x4000  }
0x25: {  	s21 =	sadd.s32 $0x1, s21;
	s4 =	rddreg [dreg:$0x5]  }
0x26: {  	p1 =	sne.s32 s21, s4  }
.Ltmp1:
0x27: {  	_ = 	snop;
	(pc) =	sbr.rel @!p1 .LBB2_5-.Ltmp1, $3  }
0x28: {  	_ =	sdelay $0x1  }
0x29: {  	[sflag:s17] =	ssyncset.done $0x0  }
0x2a: {  	[sflag:s17] =	ssyncadd.s32 $0xFFFFC000  }
.LBB2_1:
0x2b: {  	s5 =	rddreg [dreg:$0x0]  }
0x2c: {  	s4 =	simm.s32 @!p0 $0x1C0B;
	s8 =	rddreg [dreg:$0xb]  }
0x2d: {  	[spmem:s8], [sflag:s4] =	dma.local @!p0 [hbm:s5], $0x3E80  }
0x2e: {  	s4 =	simm.s32 @!p0 $0xB  }
0x2f: {  	_ =	swait.ge @!p0 [sflag:s4], $0x3E80  }
0x30: {  	[sflag:s4] =	ssyncset.done @!p0 $0x0  }
0x31: {  	s9 =	simm.s32 $0x400;
	s10 =	simm.s32 $0x8000;
	[sflag:s4] =	ssyncadd.s32 @!p0 $0xFFFFC180  }
0x32: {  	[tilespmem:s3], [sflag:$0xB] =	stream.strided.gather [hbm4b:s16+s9], $0x1800, s10, s9, $0x38;
	[tilespmem:$0x17B40] =	vst v63  }
0x33: {  	s12 =	simm.s32 $0x1800;
	s11 =	rddreg [dreg:$0xc]  }
0x34: {  	[tilespmem:s12], [sflag:$0xB] =	stream.linear.gather [hbm4b:s11+s3], $0x100, $0x38;
	[tilespmem:$0x17B40] =	vst v63  }
0x35: {  	_ =	swait.ge [sflag:s18], $0x1900  }
0x36: {  	[sflag:s18] =	ssyncset.done $0x0  }
0x37: {  	[sflag:s18] =	ssyncadd.s32 $0xFFFFE700  }
0x38: {  	[bflag:$0x0] =	sbarrier.arrive $0xFFFF  }
0x39: {  	[tilespmem:s20], [sflag:$0x1] =	stream.indirect.gather [spmem:s2], $0x80, s3, s19, $0xb8;
	[tilespmem:$0x17B40] =	vst v63  }
0x3a: {  	s12 =	rddreg [dreg:$0xa]  }
0x3b: {  	s13 =	simm.s32 $0x5C00;
	s11 =	rddreg [dreg:$0x9]  }
0x3c: {  	[tilespmem:s13], [sflag:$0x2] =	stream.indirect.gather [spmem:s2], $0x80, s19, s19, $0xb8;
	[tilespmem:$0x17B40] =	vst v63  }
0x3d: {  	s22 =	simm.s32 $0x100;
	s10 =	rddreg [dreg:$0x8]  }
0x3e: {  	[tilespmem:s23], [sflag:$0x3] =	stream.indirect.gather [spmem:s2], $0x80, s22, s19, $0xb8;
	[tilespmem:$0x17B40] =	vst v63  }
0x3f: {  	s24 =	simm.s32 $0x180;
	s25 =	simm.s32 $0xDC00;
	s9 =	rddreg [dreg:$0x7]  }
0x40: {  	[tilespmem:s25], [sflag:$0x4] =	stream.indirect.gather [spmem:s2], $0x80, s24, s19, $0xb8;
	[tilespmem:$0x17B40] =	vst v63  }
0x41: {  	s26 =	simm.s32 $0x200;
	s4 =	simm.s32 $0x0;
	s8 =	rddreg [dreg:$0x6]  }
0x42: {  	[tilespmem:s28], [sflag:$0x5] =	stream.indirect.gather [spmem:s2], $0x80, s26, s19, $0xb8;
	[tilespmem:$0x17B40] =	vst v63  }
.LBB2_2:
0x43: {  	_ =	swait.ge [sflag:s29], $0x4000  }
0x44: {  	p1 =	seq.s32 s4, $0x5A00;
	[sflag:s29] =	ssyncset.done $0x0  }
0x45: {  	s5 =	simm.s32 @p1 $0x2;
	[sflag:s29] =	ssyncadd.s32 $0xFFFFC000  }
0x46: {  	[hbm4b:s12+s3] =	stream.linear.scatter [tilespmem:s20], [sflag:$0x6], $0x4000, $0x38;
	[tilespmem:$0x17B40] =	vst v63  }
0x47: {  	_ =	swait.ge @p1 [sflag:s5], $0x4000  }
0x48: {  	[sflag:s5] =	ssyncset.done @p1 $0x0  }
0x49: {  	s26 =	simm.s32 @p1 $0x5C00;
	[sflag:s5] =	ssyncadd.s32 @p1 $0xFFFFC000;
	s5 =	simm.s32 @p1 $0x0  }
0x4a: {  	[hbm4b:s6+s5] =	stream.linear.scatter @p1 [tilespmem:s26], [sflag:$0x7], $0x4000, $0x38;
	[tilespmem:$0x17B40] =	vst v63  }
0x4b: {  	s26 =	simm.s32 @!p1 $0x6  }
0x4c: {  	_ =	swait.ge @!p1 [sflag:s26], $0x4000  }
0x4d: {  	[sflag:s26] =	ssyncset.done @!p1 $0x0  }
0x4e: {  	[sflag:s26] =	ssyncadd.s32 @!p1 $0xFFFFC000;
	s26 =	sshra.s32 @!p1 s4, $0x2  }
0x4f: {  	s24 =	simm.s32 @!p1 $0x80;
	s22 =	simm.s32 @!p1 $0x1C00;
	s25 =	sadd.s32 @!p1 $0x280, s26  }
0x50: {  	[tilespmem:s22], [sflag:$0x1] =	stream.indirect.gather @!p1 [spmem:s2], $0x80, s25, s24, $0xb8;
	[tilespmem:$0x17B40] =	vst v63  }
0x51: {  	s22 =	simm.s32 @!p1 $0x2  }
0x52: {  	_ =	swait.ge @!p1 [sflag:s22], $0x4000  }
0x53: {  	s13 =	simm.s32 @!p1 $0x7;
	[sflag:s22] =	ssyncset.done @!p1 $0x0  }
0x54: {  	s25 =	simm.s32 @!p1 $0x5C00;
	[sflag:s22] =	ssyncadd.s32 @!p1 $0xFFFFC000;
	s22 =	simm.s32 @!p1 $0x0  }
0x55: {  	[hbm4b:s11+s22] =	stream.linear.scatter @!p1 [tilespmem:s25], [sflag:$0x7], $0x4000, $0x38;
	[tilespmem:$0x17B40] =	vst v63  }
0x56: {  	_ =	swait.ge @!p1 [sflag:s13], $0x4000  }
0x57: {  	[sflag:s13] =	ssyncset.done @!p1 $0x0  }
0x58: {  	[sflag:s13] =	ssyncadd.s32 @!p1 $0xFFFFC000;
	s13 =	sadd.s32 @!p1 $0x300, s26  }
0x59: {  	[tilespmem:s25], [sflag:$0x2] =	stream.indirect.gather @!p1 [spmem:s2], $0x80, s13, s24, $0xb8;
	[tilespmem:$0x17B40] =	vst v63  }
0x5a: {  	_ =	swait.ge [sflag:s30], $0x4000  }
0x5b: {  	[sflag:s30] =	ssyncset.done $0x0  }
0x5c: {  	s13 =	simm.s32 @p1 $0x4;
	[sflag:s30] =	ssyncadd.s32 $0xFFFFC000  }
0x5d: {  	[hbm4b:s10+s3] =	stream.linear.scatter [tilespmem:s23], [sflag:$0x8], $0x4000, $0x38;
	[tilespmem:$0x17B40] =	vst v63  }
0x5e: {  	_ =	swait.ge @p1 [sflag:s13], $0x4000  }
0x5f: {  	[sflag:s13] =	ssyncset.done @p1 $0x0  }
0x60: {  	[sflag:s13] =	ssyncadd.s32 @p1 $0xFFFFC000;
	s13 =	simm.s32 @p1 $0xDC00  }
0x61: {  	[hbm4b:s7+s5] =	stream.linear.scatter @p1 [tilespmem:s13], [sflag:$0x9], $0x4000, $0x38;
	[tilespmem:$0x17B40] =	vst v63  }
0x62: {  	s5 =	simm.s32 @!p1 $0x8  }
0x63: {  	_ =	swait.ge @!p1 [sflag:s5], $0x4000  }
0x64: {  	[sflag:s5] =	ssyncset.done @!p1 $0x0  }
0x65: {  	s13 =	simm.s32 @!p1 $0x9C00;
	[sflag:s5] =	ssyncadd.s32 @!p1 $0xFFFFC000;
	s5 =	sadd.s32 @!p1 $0x380, s26  }
0x66: {  	[tilespmem:s13], [sflag:$0x3] =	stream.indirect.gather @!p1 [spmem:s2], $0x80, s5, s24, $0xb8;
	[tilespmem:$0x17B40] =	vst v63  }
0x67: {  	s5 =	simm.s32 @!p1 $0x4  }
0x68: {  	_ =	swait.ge @!p1 [sflag:s5], $0x4000  }
0x69: {  	[sflag:s5] =	ssyncset.done @!p1 $0x0  }
0x6a: {  	s13 =	simm.s32 @!p1 $0x9;
	[sflag:s5] =	ssyncadd.s32 @!p1 $0xFFFFC000;
	s5 =	simm.s32 @!p1 $0xDC00  }
0x6b: {  	[hbm4b:s9+s22] =	stream.linear.scatter @!p1 [tilespmem:s5], [sflag:$0x9], $0x4000, $0x38;
	[tilespmem:$0x17B40] =	vst v63  }
0x6c: {  	_ =	swait.ge @!p1 [sflag:s13], $0x4000  }
0x6d: {  	[sflag:s13] =	ssyncset.done @!p1 $0x0  }
0x6e: {  	[sflag:s13] =	ssyncadd.s32 @!p1 $0xFFFFC000;
	s13 =	sadd.s32 @!p1 $0x400, s26  }
0x6f: {  	[tilespmem:s5], [sflag:$0x4] =	stream.indirect.gather @!p1 [spmem:s2], $0x80, s13, s24, $0xb8;
	[tilespmem:$0x17B40] =	vst v63  }
.Ltmp2:
0x70: {  	_ = 	snop;
	(pc) =	sbr.rel @p1 .LBB2_4-.Ltmp2, $4  }
0x71: {  	_ =	swait.ge [sflag:s31], $0x4000  }
0x72: {  	[sflag:s31] =	ssyncset.done $0x0  }
0x73: {  	[sflag:s31] =	ssyncadd.s32 $0xFFFFC000  }
0x74: {  	[hbm4b:s8+s3] =	stream.linear.scatter [tilespmem:s28], [sflag:$0xA], $0x4000, $0x38;
	[tilespmem:$0x17B40] =	vst v63  }
.Ltmp3:
0x75: {  	_ =	swait.ge [sflag:s17], $0x4000;
	s5 =	sshra.s32 s4, $0x2;
	(pc) =	sbr.rel .LBB2_2-.Ltmp3, $4  }
0x76: {  	s4 =	sadd.s32 $0xA00, s4;
	s8 =	sadd.s32 $0x50000, s8;
	s9 =	sadd.s32 $0x50000, s9  }
0x77: {  	s10 =	sadd.s32 $0x50000, s10;
	s11 =	sadd.s32 $0x50000, s11;
	[sflag:s17] =	ssyncset.done $0x0  }
0x78: {  	s12 =	sadd.s32 $0x50000, s12;
	s5 =	sadd.s32 $0x480, s5;
	[sflag:s17] =	ssyncadd.s32 $0xFFFFC000  }
0x79: {  	[tilespmem:s28], [sflag:$0x5] =	stream.indirect.gather [spmem:s2], $0x80, s5, s19, $0xb8;
	[tilespmem:$0x17B40] =	vst v63  }
.LBB2_5:
0x7a: {  	_ =	sfence.sel $0x180000  }
0x7b: {  	[bflag:$0x0] =	sbarrier.arrive $0xFFFF  }
0x7c: {  	_ =	strace $0x90000047  }
0x7d: {  	[bflag:$0x2] =	sbarrier.arrive $0xFFFF  }
0x7e: {  	s0 =	rddreg [dreg:$0x4]  }
0x7f: {  	s0 =	sadd.s32 @!p0 $0x100000, s0  }
0x80: {  	[sflag:s0] =	ssyncadd.tile.s32 @!p0 $0x1;
	_ =	shalt  }
.Lfunc_end2:
_tile_overlayer_lowered:
.L_overlay_start_2:
0x81: {  	(tag) =	ssettag $0x2  }
0x82: {  	s0 =	rddreg [dreg:$0x0];
	s2 =	stileid.u32  }
0x83: {  	s1 =	rddreg [dreg:$0x1];
	p0 =	sne.s32 s2, $0x0  }
0x84: {  	s3 =	rddreg [dreg:$0x2];
	[bflag:$0x3] =	sbarrier.arrive $0xFFFF;
	s2 =	simm.s32 @!p0 $0x1C0B  }
0x85: {  	[timem:s3], [sflag:s2] =	dma.local @!p0 [hbm:s0], s1  }
0x86: {  	s0 =	simm.s32 @!p0 $0xB  }
0x87: {  	_ =	swait.ge @!p0 [sflag:s0], s1  }
0x88: {  	s1 =	ssub.s32 @!p0 $0x0, s1;
	[sflag:s0] =	ssyncset.done @!p0 $0x0  }
0x89: {  	[sflag:s0] =	ssyncadd.s32 @!p0 s1  }
0x8a: {  	[bflag:$0x3] =	sbarrier.arrive $0xFFFF  }
0x8b: {  	_ =	shalt  }

</sc_bundles>
